<compile_context>
chip_gen: v7x
topology: tpu7x:2x2x1
jax: 0.10.2.dev20260603
libtpu: 0.0.44.dev20260713+nightly
codegen_flags: <defaults>
</compile_context>

<pallas_src>
import functools

import jax
import jax.numpy as jnp
from jax import lax
from jax.experimental import pallas as pl
from jax.experimental.pallas import tpu as pltpu
from jax.experimental.pallas import tpu_sc as plsc

_F = 4
_B, _S, _D = 4, 2048, 1024
_NST = 16
_ROWS = _B * _S
_NTASK = 32
_GPB = _NTASK // _B
_K = _S // _GPB


def _tf2x32(k1, k2, x1, x2):
    import numpy as np

    def rotl(v, r):
        return ((v << np.uint32(r)) | (v >> np.uint32(32 - r))).astype(np.uint32)

    rot = [np.uint32(r) for r in (13, 15, 26, 6, 17, 29, 16, 24)]
    ks = [k1, k2, np.uint32(k1 ^ k2 ^ np.uint32(0x1BD11BDA))]
    x = [(x1 + ks[0]).astype(np.uint32), (x2 + ks[1]).astype(np.uint32)]
    for i in range(5):
        rr = rot[:4] if i % 2 == 0 else rot[4:]
        for r in rr:
            x[0] = (x[0] + x[1]).astype(np.uint32)
            x[1] = np.uint32(x[0] ^ rotl(x[1], r))
        x[0] = (x[0] + ks[(i + 1) % 3]).astype(np.uint32)
        x[1] = (x[1] + ks[(i + 2) % 3] + np.uint32(i + 1)).astype(np.uint32)
    return x[0], x[1]


@functools.lru_cache(maxsize=1)
def _uniform_thresholds_rep():
    import numpy as np

    k1, k2 = np.uint32(0), np.uint32(42)
    hi = np.zeros(_S, np.uint32)
    lo = np.arange(_S, dtype=np.uint32)
    kb1, kb2 = _tf2x32(k1, k2, hi, lo)
    chi = np.zeros((_S, _B), np.uint32)
    clo = np.broadcast_to(np.arange(_B, dtype=np.uint32), (_S, _B))
    b1, b2 = _tf2x32(
        np.broadcast_to(kb1[:, None], (_S, _B)).copy(),
        np.broadcast_to(kb2[:, None], (_S, _B)).copy(),
        chi,
        clo,
    )
    bits = np.uint32(b1 ^ b2)
    fl = ((bits >> np.uint32(9)) | np.uint32(0x3F800000)).view(np.float32)
    u_np = np.maximum(np.float32(0.0), fl - np.float32(1.0))
    u_rows = u_np.T.reshape(_ROWS, 1)
    return np.broadcast_to(u_rows, (_ROWS, _NST)).copy()



def _hyp_body(x_ref, w_ref, b_ref, u_ref, fw_ref, bp_ref):
    acc = (
        jnp.dot(x_ref[...], w_ref[...], preferred_element_type=jnp.float32)
        + b_ref[...]
    )
    tile = acc.shape[0]
    fw_ref[...] = jnp.concatenate(
        [acc, jnp.zeros((tile, 8 - (_F + 1)), jnp.float32)], axis=1
    )
    h = lax.broadcasted_iota(jnp.int32, (1, _NST), 1)
    c3 = ((h >> 3) & 1).astype(jnp.float32)
    c2 = ((h >> 2) & 1).astype(jnp.float32)
    c1 = ((h >> 1) & 1).astype(jnp.float32)
    c0 = (h & 1).astype(jnp.float32)
    w16 = (
        acc[:, 0:1]
        + acc[:, 1:2] * c3
        + acc[:, 2:3] * c2
        + acc[:, 3:4] * c1
        + acc[:, 4:5] * c0
    )
    p16 = jax.nn.sigmoid(w16)
    bits = (u_ref[...] < p16).astype(jnp.int32)
    bp_ref[...] = jnp.sum(bits << h, axis=1, keepdims=True)


def _hyp_tables(x2, W, b, urep):
    tile = 512
    grid = _ROWS // tile
    return pl.pallas_call(
        _hyp_body,
        grid=(grid,),
        in_specs=[
            pl.BlockSpec((tile, _D), lambda i: (i, 0)),
            pl.BlockSpec((_D, _F + 1), lambda i: (0, 0)),
            pl.BlockSpec((1, _F + 1), lambda i: (0, 0)),
            pl.BlockSpec((tile, _NST), lambda i: (i, 0)),
        ],
        out_specs=[
            pl.BlockSpec((tile, 8), lambda i: (i, 0)),
            pl.BlockSpec((tile, 1), lambda i: (i, 0)),
        ],
        out_shape=[
            jax.ShapeDtypeStruct((_ROWS, 8), jnp.float32),
            jax.ShapeDtypeStruct((_ROWS, 1), jnp.int32),
        ],
    )(x2, W, b.reshape(1, -1), urep)



def _sc_walk(fw8, bitsp):
    mesh = plsc.VectorSubcoreMesh(core_axis_name="c", subcore_axis_name="s")

    @functools.partial(
        pl.kernel,
        mesh=mesh,
        out_type=[
            jax.ShapeDtypeStruct((_ROWS,), jnp.float32),
            jax.ShapeDtypeStruct((_ROWS,), jnp.float32),
        ],
        scratch_types=[
            pltpu.VMEM((_S,), jnp.int32),
            pltpu.VMEM((_K, 8), jnp.float32),
            pltpu.VMEM((_K + _NST,), jnp.int32),
            pltpu.VMEM((_K + _NST,), jnp.int32),
            pltpu.VMEM((_K,), jnp.float32),
            pltpu.VMEM((_K,), jnp.float32),
        ],
        compiler_params=pltpu.CompilerParams(needs_layout_passes=False),
    )
    def walk(fw_hbm, bp_hbm, w_hbm, samp_hbm,
             bp_v, fw_v, st_v, bit_v, w_v, samp_v):
        core = lax.axis_index("c")
        sub = lax.axis_index("s")
        b = core * 2 + sub // _GPB
        g = sub % _GPB
        row0 = b * _S + g * _K
        pltpu.sync_copy(bp_hbm.at[pl.ds(b * _S, _S)], bp_v)
        pltpu.sync_copy(fw_hbm.at[pl.ds(row0, _K)], fw_v)

        iota16 = lax.iota(jnp.int32, _NST)
        one = jnp.int32(1)
        mask15 = jnp.int32(_NST - 1)

        def walk_chunk(c, s):
            words = bp_v[pl.ds(c * _NST, _NST)]
            st_acc = jnp.zeros((_NST,), jnp.int32)
            bit_acc = jnp.zeros((_NST,), jnp.int32)
            for k in range(_NST):
                wb = jnp.broadcast_to(words[k], (_NST,))
                bit = (wb >> s) & one
                sel = iota16 == k
                st_acc = jnp.where(sel, s, st_acc)
                bit_acc = jnp.where(sel, bit, bit_acc)
                s = ((s << one) & mask15) | bit
            d = (c >> 4) - g
            mine = ((d | (-d)) >> 31) + one
            start = mine * ((c - g * _NST) * _NST) + (one - mine) * _K
            st_v[pl.ds(start, _NST)] = st_acc
            bit_v[pl.ds(start, _NST)] = bit_acc
            return s

        _ = lax.fori_loop(
            0, _S // _NST, walk_chunk, jnp.zeros((_NST,), jnp.int32)
        )

        def recover(j, _):
            sl = pl.ds(j * _NST, _NST)
            sj = st_v[sl]
            bj = bit_v[sl]
            t16 = iota16 + j * _NST
            c3 = ((sj >> 3) & one).astype(jnp.float32)
            c2 = ((sj >> 2) & one).astype(jnp.float32)
            c1 = ((sj >> 1) & one).astype(jnp.float32)
            c0 = (sj & one).astype(jnp.float32)
            f0 = plsc.load_gather(fw_v, [t16, jnp.full((_NST,), 0, jnp.int32)])
            f1 = plsc.load_gather(fw_v, [t16, jnp.full((_NST,), 1, jnp.int32)])
            f2 = plsc.load_gather(fw_v, [t16, jnp.full((_NST,), 2, jnp.int32)])
            f3 = plsc.load_gather(fw_v, [t16, jnp.full((_NST,), 3, jnp.int32)])
            f4 = plsc.load_gather(fw_v, [t16, jnp.full((_NST,), 4, jnp.int32)])
            w_v[sl] = f0 + f1 * c3 + f2 * c2 + f3 * c1 + f4 * c0
            samp_v[sl] = bj.astype(jnp.float32)
            return 0

        _ = lax.fori_loop(0, _K // _NST, recover, jnp.int32(0))
        pltpu.sync_copy(w_v, w_hbm.at[pl.ds(row0, _K)])
        pltpu.sync_copy(samp_v, samp_hbm.at[pl.ds(row0, _K)])

    return walk(fw8, bitsp)



def _elem_body(w_ref, lo_ref, pr_ref):
    w = w_ref[...]
    pr_ref[...] = jax.nn.sigmoid(w)
    lo_ref[...] = jnp.minimum(w, 0.0) - jnp.log1p(jnp.exp(-jnp.abs(w)))


def _elem(w2d):
    return pl.pallas_call(
        _elem_body,
        out_shape=[
            jax.ShapeDtypeStruct(w2d.shape, jnp.float32),
            jax.ShapeDtypeStruct(w2d.shape, jnp.float32),
        ],
    )(w2d)


def kernel(x, W, b):
    B, S, D = x.shape
    x2 = x.reshape(B * S, D)
    urep = jnp.asarray(_uniform_thresholds_rep())
    fw8, bitsp = _hyp_tables(x2, W, b, urep)
    w_flat, samp_flat = _sc_walk(fw8, bitsp.reshape(-1))
    lo, pr = _elem(w_flat.reshape(64, 128))
    gate_logits = lo.reshape(B, S, 1)
    gate_probs = pr.reshape(B, S, 1)
    gate_samples = samp_flat.reshape(B, S, 1)
    return gate_logits, gate_probs, gate_samples

# --- scband reference (transcript-rebuilt; emitter-appended) ---
"""Pipeline reference for scband-sequentialy-dependent-gater-75453985456507 (READ-ONLY COPY).

The authoritative reference and input builder live on the scoring server;
editing this copy changes nothing except your own understanding.
"""

import jax, jax.numpy as jnp
import numpy as np

FILTER_SIZE = 4

def setup_inputs(seed: int = 0):
    key = jax.random.key(seed)
    k1, k2, k3 = jax.random.split(key, 3)
    B, S, D = 4, 2048, 1024
    x = jax.random.normal(k1, (B, S, D), dtype=jnp.float32)
    # Learned params for the (abstract) precompute_filter_weights: a linear map
    # producing a bias coefficient + filter_size autoregressive tap coefficients per step.
    W = jax.random.normal(k2, (D, FILTER_SIZE + 1), dtype=jnp.float32) * (1.0 / np.sqrt(D))
    b = jax.random.normal(k3, (FILTER_SIZE + 1,), dtype=jnp.float32) * 0.01
    return {"x": x, "W": W, "b": b}

def _forward(x, W, b):
    B, S, D = x.shape
    F = W.shape[1] - 1  # filter_size
    # precompute_filter_weights: [B, S, F+1]
    fw = jnp.einsum('bsd,df->bsf', x, W) + b
    keys = jax.random.split(jax.random.key(42), S)
    def step(carry, inp):
        # carry: last F gate samples, oldest..newest, [B, F]
        fw_t, k = inp  # [B, F+1], key
        # scan_filter_weights: bias tap + dot of tap coeffs with previous samples
        weight = fw_t[:, 0] + jnp.sum(fw_t[:, 1:] * carry, axis=-1)  # [B]
        log_p = jax.nn.log_sigmoid(weight)
        p = jax.nn.sigmoid(weight)
        # torch.bernoulli: sample is non-differentiable
        sample = jax.lax.stop_gradient(jax.random.bernoulli(k, p).astype(x.dtype))
        new_carry = jnp.concatenate([carry[:, 1:], sample[:, None]], axis=1)
        return new_carry, (log_p, p, sample)
    init = jnp.zeros((B, F), dtype=x.dtype)
    _, (logits, probs, samples) = jax.lax.scan(step, init, (jnp.swapaxes(fw, 0, 1), keys))
    gate_logits = jnp.swapaxes(logits, 0, 1)[..., None]   # [B, S, 1]
    gate_probs = jnp.swapaxes(probs, 0, 1)[..., None]     # [B, S, 1]
    gate_samples = jnp.swapaxes(samples, 0, 1)[..., None] # [B, S, 1]
    return gate_logits, gate_probs, gate_samples

def reference(x, W, b):
    return _forward(x, W, b)

if __name__ == "__main__":
    import jax
    _d = setup_inputs()
    print(jax.jit(kernel)(*tuple(_d.values())))

</pallas_src>

<mosaic_0001>
#map = affine_map<(d0, d1) -> (0, 0)>
#map1 = affine_map<(d0, d1) -> (0)>
module attributes {stable_mosaic.version = 14 : i64} {
  func.func @walk(%arg0: i32, %arg1: i32, %arg2: memref<8192x8xf32, #tpu.memory_space<hbm>>, %arg3: memref<8192xi32, #tpu.memory_space<hbm>>, %arg4: memref<8192xf32, #tpu.memory_space<hbm>>, %arg5: memref<8192xf32, #tpu.memory_space<hbm>>, %arg6: memref<2048xi32, #tpu.memory_space<vmem>>, %arg7: memref<256x8xf32, #tpu.memory_space<vmem>>, %arg8: memref<272xi32, #tpu.memory_space<vmem>>, %arg9: memref<272xi32, #tpu.memory_space<vmem>>, %arg10: memref<256xf32, #tpu.memory_space<vmem>>, %arg11: memref<256xf32, #tpu.memory_space<vmem>>) attributes {dimension_semantics = [#tpu.dimension_semantics<core_parallel>, #tpu.dimension_semantics<subcore_parallel>], iteration_bounds = array<i64: 2, 16>, scalar_prefetch = 0 : i64, scratch_operands = 6 : i64, tpu.core_type = #tpu.core_type<sc_vector_subcore>, window_params = [{transform_indices = #map}, {transform_indices = #map1}, {transform_indices = #map1}, {transform_indices = #map1}]} {
    %mul3A = arith.constant 2 : i32
    %mul3A_0 = arith.muli %arg0, %mul3A : i32
    %jit3A = arith.constant 8 : i32
    %div3A = arith.divsi %arg1, %jit3A : i32
    %sign3A = arith.constant 0 : i32
    %sign3A_1 = arith.cmpi sgt, %arg1, %sign3A : i32
    %sign3A_2 = arith.extui %sign3A_1 : i1 to i32
    %sign3A_3 = arith.constant 0 : i32
    %sign3A_4 = arith.cmpi slt, %arg1, %sign3A_3 : i32
    %sign3A_5 = arith.extui %sign3A_4 : i1 to i32
    %sign3A_6 = arith.subi %sign3A_2, %sign3A_5 : i32
    %sign3A_7 = arith.constant 0 : i32
    %sign3A_8 = arith.cmpi sgt, %jit3A, %sign3A_7 : i32
    %sign3A_9 = arith.extui %sign3A_8 : i1 to i32
    %sign3A_10 = arith.constant 0 : i32
    %sign3A_11 = arith.cmpi slt, %jit3A, %sign3A_10 : i32
    %sign3A_12 = arith.extui %sign3A_11 : i1 to i32
    %sign3A_13 = arith.subi %sign3A_9, %sign3A_12 : i32
    %ne3A = arith.cmpi ne, %sign3A_6, %sign3A_13 : i32
    %rem3A = arith.remsi %arg1, %jit3A : i32
    %ne3A_14 = arith.constant 0 : i32
    %ne3A_15 = arith.cmpi ne, %rem3A, %ne3A_14 : i32
    %and3A = arith.andi %ne3A, %ne3A_15 : i1
    %sub3A = arith.constant 1 : i32
    %sub3A_16 = arith.subi %div3A, %sub3A : i32
    %select_n3A = arith.select %and3A, %sub3A_16, %div3A : i32
    %add3A = arith.addi %mul3A_0, %select_n3A : i32
    %jit3A_17 = arith.constant 8 : i32
    %eq3A = arith.constant 0 : i32
    %eq3A_18 = arith.cmpi eq, %jit3A_17, %eq3A : i32
    %jit3A_19 = arith.constant 1 : i32
    %select_n3A_20 = arith.select %eq3A_18, %jit3A_19, %jit3A_17 : i32
    %rem3A_21 = arith.remsi %arg1, %select_n3A_20 : i32
    %ne3A_22 = arith.constant 0 : i32
    %ne3A_23 = arith.cmpi ne, %rem3A_21, %ne3A_22 : i32
    %lt3A = arith.constant 0 : i32
    %lt3A_24 = arith.cmpi slt, %rem3A_21, %lt3A : i32
    %lt3A_25 = arith.constant 0 : i32
    %lt3A_26 = arith.cmpi slt, %select_n3A_20, %lt3A_25 : i32
    %ne3A_27 = arith.xori %lt3A_24, %lt3A_26 : i1
    %and3A_28 = arith.andi %ne3A_27, %ne3A_23 : i1
    %add3A_29 = arith.addi %rem3A_21, %select_n3A_20 : i32
    %select_n3A_30 = arith.select %and3A_28, %add3A_29, %rem3A_21 : i32
    %mul3A_31 = arith.constant 2048 : i32
    %mul3A_32 = arith.muli %add3A, %mul3A_31 : i32
    %mul3A_33 = arith.constant 256 : i32
    %mul3A_34 = arith.muli %select_n3A_30, %mul3A_33 : i32
    %add3A_35 = arith.addi %mul3A_32, %mul3A_34 : i32
    %mul3A_36 = arith.constant 2048 : i32
    %mul3A_37 = arith.muli %add3A, %mul3A_36 : i32
    "tpu.region"() ({
      %run_scoped3A = tpu.sem_alloc : memref<!tpu.dma_semaphore, #tpu.memory_space<semaphore_mem>>
      %dma_start3A = tpu.memref_slice %arg3[%mul3A_37] : memref<8192xi32, #tpu.memory_space<hbm>> -> memref<2048xi32, #tpu.memory_space<hbm>>
      %dma_start3A_54 = tpu.memref_slice %arg3[%mul3A_37] : memref<8192xi32, #tpu.memory_space<hbm>> -> memref<2048xi32, #tpu.memory_space<hbm>>
      tpu.enqueue_dma source(%dma_start3A_54 : memref<2048xi32, #tpu.memory_space<hbm>>) target(%arg6 : memref<2048xi32, #tpu.memory_space<vmem>>) target_semaphore(%run_scoped3A : memref<!tpu.dma_semaphore, #tpu.memory_space<semaphore_mem>>)
      %dma_wait3A = tpu.memref_slice %arg3[%mul3A_37] : memref<8192xi32, #tpu.memory_space<hbm>> -> memref<2048xi32, #tpu.memory_space<hbm>>
      %dma_wait3A_55 = tpu.memref_slice %arg3[%mul3A_37] : memref<8192xi32, #tpu.memory_space<hbm>> -> memref<2048xi32, #tpu.memory_space<hbm>>
      tpu.wait_dma2 semaphore(%run_scoped3A : memref<!tpu.dma_semaphore, #tpu.memory_space<semaphore_mem>>) src(%dma_wait3A_55 : memref<2048xi32, #tpu.memory_space<hbm>>) dst(%arg6 : memref<2048xi32, #tpu.memory_space<vmem>>)
      tpu.yield
    }) : () -> ()
    "tpu.region"() ({
      %run_scoped3A = tpu.sem_alloc : memref<!tpu.dma_semaphore, #tpu.memory_space<semaphore_mem>>
      %dma_start3A = arith.constant 0 : i32
      %dma_start3A_54 = tpu.memref_slice %arg2[%add3A_35, %dma_start3A] : memref<8192x8xf32, #tpu.memory_space<hbm>> -> memref<256x8xf32, #tpu.memory_space<hbm>>
      %dma_start3A_55 = arith.constant 0 : i32
      %dma_start3A_56 = tpu.memref_slice %arg2[%add3A_35, %dma_start3A_55] : memref<8192x8xf32, #tpu.memory_space<hbm>> -> memref<256x8xf32, #tpu.memory_space<hbm>>
      tpu.enqueue_dma source(%dma_start3A_56 : memref<256x8xf32, #tpu.memory_space<hbm>>) target(%arg7 : memref<256x8xf32, #tpu.memory_space<vmem>>) target_semaphore(%run_scoped3A : memref<!tpu.dma_semaphore, #tpu.memory_space<semaphore_mem>>)
      %dma_wait3A = arith.constant 0 : i32
      %dma_wait3A_57 = tpu.memref_slice %arg2[%add3A_35, %dma_wait3A] : memref<8192x8xf32, #tpu.memory_space<hbm>> -> memref<256x8xf32, #tpu.memory_space<hbm>>
      %dma_wait3A_58 = arith.constant 0 : i32
      %dma_wait3A_59 = tpu.memref_slice %arg2[%add3A_35, %dma_wait3A_58] : memref<8192x8xf32, #tpu.memory_space<hbm>> -> memref<256x8xf32, #tpu.memory_space<hbm>>
      tpu.wait_dma2 semaphore(%run_scoped3A : memref<!tpu.dma_semaphore, #tpu.memory_space<semaphore_mem>>) src(%dma_wait3A_59 : memref<256x8xf32, #tpu.memory_space<hbm>>) dst(%arg7 : memref<256x8xf32, #tpu.memory_space<vmem>>)
      tpu.yield
    }) : () -> ()
    %iota3A = tpu.iota {dimensions = array<i32: 0>} : vector<16xi32>
    %broadcast_in_dim3A = arith.constant 0 : i32
    %broadcast_in_dim3A_38 = vector.broadcast %broadcast_in_dim3A : i32 to vector<16xi32>
    %scan3A = arith.constant 1 : i32
    %scan3A_39 = arith.constant 15 : i32
    %scan3A_40 = arith.constant 0 : i32
    %scan3A_41 = arith.constant 128 : i32
    %scan3A_42 = arith.addi %scan3A_40, %scan3A_41 : i32
    %scan3A_43 = arith.constant 1 : i32
    %scan3A_44 = scf.for %scan3A_54 = %scan3A_40 to %scan3A_42 step %scan3A_43 iter_args(%scan3A_55 = %broadcast_in_dim3A_38) -> (vector<16xi32>)  : i32 {
      %mul3A_56 = arith.constant 16 : i32
      %mul3A_57 = arith.muli %scan3A_54, %mul3A_56 : i32
      %get3A = arith.index_cast %mul3A_57 : i32 to index
      %get3A_58 = tpu.vector_load %arg6[%get3A] {strides = array<i32>} : memref<2048xi32, #tpu.memory_space<vmem>>, vector<16xi32>,
      %broadcast_in_dim3A_59 = arith.constant 0 : i32
      %broadcast_in_dim3A_60 = vector.broadcast %broadcast_in_dim3A_59 : i32 to vector<16xi32>
      %broadcast_in_dim3A_61 = arith.constant 0 : i32
      %broadcast_in_dim3A_62 = vector.broadcast %broadcast_in_dim3A_61 : i32 to vector<16xi32>
      %slice3A = vector.extract_strided_slice %get3A_58 {offsets = [0], sizes = [1], strides = [1]} : vector<16xi32> to vector<1xi32>
      %squeeze3A = vector.extract %slice3A[0] : i32 from vector<1xi32>
      %broadcast_in_dim3A_63 = vector.broadcast %squeeze3A : i32 to vector<16xi32>
      %shift_right_arithmetic3A = arith.shrsi %broadcast_in_dim3A_63, %scan3A_55 : vector<16xi32>
      %and3A_64 = vector.broadcast %scan3A : i32 to vector<16xi32>
      %and3A_65 = arith.andi %shift_right_arithmetic3A, %and3A_64 : vector<16xi32>
      %eq3A_66 = arith.constant 0 : i32
      %eq3A_67 = vector.broadcast %eq3A_66 : i32 to vector<16xi32>
      %eq3A_68 = arith.cmpi eq, %iota3A, %eq3A_67 : vector<16xi32>
      %select_n3A_69 = arith.select %eq3A_68, %scan3A_55, %broadcast_in_dim3A_60 : vector<16xi1>, vector<16xi32>
      %select_n3A_70 = arith.select %eq3A_68, %and3A_65, %broadcast_in_dim3A_62 : vector<16xi1>, vector<16xi32>
      %shift_left3A = vector.broadcast %scan3A : i32 to vector<16xi32>
      %shift_left3A_71 = arith.shli %scan3A_55, %shift_left3A : vector<16xi32>
      %and3A_72 = vector.broadcast %scan3A_39 : i32 to vector<16xi32>
      %and3A_73 = arith.andi %shift_left3A_71, %and3A_72 : vector<16xi32>
      %or3A = arith.ori %and3A_73, %and3A_65 : vector<16xi32>
      %slice3A_74 = vector.extract_strided_slice %get3A_58 {offsets = [1], sizes = [1], strides = [1]} : vector<16xi32> to vector<1xi32>
      %squeeze3A_75 = vector.extract %slice3A_74[0] : i32 from vector<1xi32>
      %broadcast_in_dim3A_76 = vector.broadcast %squeeze3A_75 : i32 to vector<16xi32>
      %shift_right_arithmetic3A_77 = arith.shrsi %broadcast_in_dim3A_76, %or3A : vector<16xi32>
      %and3A_78 = vector.broadcast %scan3A : i32 to vector<16xi32>
      %and3A_79 = arith.andi %shift_right_arithmetic3A_77, %and3A_78 : vector<16xi32>
      %eq3A_80 = arith.constant 1 : i32
      %eq3A_81 = vector.broadcast %eq3A_80 : i32 to vector<16xi32>
      %eq3A_82 = arith.cmpi eq, %iota3A, %eq3A_81 : vector<16xi32>
      %select_n3A_83 = arith.select %eq3A_82, %or3A, %select_n3A_69 : vector<16xi1>, vector<16xi32>
      %select_n3A_84 = arith.select %eq3A_82, %and3A_79, %select_n3A_70 : vector<16xi1>, vector<16xi32>
      %shift_left3A_85 = vector.broadcast %scan3A : i32 to vector<16xi32>
      %shift_left3A_86 = arith.shli %or3A, %shift_left3A_85 : vector<16xi32>
      %and3A_87 = vector.broadcast %scan3A_39 : i32 to vector<16xi32>
      %and3A_88 = arith.andi %shift_left3A_86, %and3A_87 : vector<16xi32>
      %or3A_89 = arith.ori %and3A_88, %and3A_79 : vector<16xi32>
      %slice3A_90 = vector.extract_strided_slice %get3A_58 {offsets = [2], sizes = [1], strides = [1]} : vector<16xi32> to vector<1xi32>
      %squeeze3A_91 = vector.extract %slice3A_90[0] : i32 from vector<1xi32>
      %broadcast_in_dim3A_92 = vector.broadcast %squeeze3A_91 : i32 to vector<16xi32>
      %shift_right_arithmetic3A_93 = arith.shrsi %broadcast_in_dim3A_92, %or3A_89 : vector<16xi32>
      %and3A_94 = vector.broadcast %scan3A : i32 to vector<16xi32>
      %and3A_95 = arith.andi %shift_right_arithmetic3A_93, %and3A_94 : vector<16xi32>
      %eq3A_96 = arith.constant 2 : i32
      %eq3A_97 = vector.broadcast %eq3A_96 : i32 to vector<16xi32>
      %eq3A_98 = arith.cmpi eq, %iota3A, %eq3A_97 : vector<16xi32>
      %select_n3A_99 = arith.select %eq3A_98, %or3A_89, %select_n3A_83 : vector<16xi1>, vector<16xi32>
      %select_n3A_100 = arith.select %eq3A_98, %and3A_95, %select_n3A_84 : vector<16xi1>, vector<16xi32>
      %shift_left3A_101 = vector.broadcast %scan3A : i32 to vector<16xi32>
      %shift_left3A_102 = arith.shli %or3A_89, %shift_left3A_101 : vector<16xi32>
      %and3A_103 = vector.broadcast %scan3A_39 : i32 to vector<16xi32>
      %and3A_104 = arith.andi %shift_left3A_102, %and3A_103 : vector<16xi32>
      %or3A_105 = arith.ori %and3A_104, %and3A_95 : vector<16xi32>
      %slice3A_106 = vector.extract_strided_slice %get3A_58 {offsets = [3], sizes = [1], strides = [1]} : vector<16xi32> to vector<1xi32>
      %squeeze3A_107 = vector.extract %slice3A_106[0] : i32 from vector<1xi32>
      %broadcast_in_dim3A_108 = vector.broadcast %squeeze3A_107 : i32 to vector<16xi32>
      %shift_right_arithmetic3A_109 = arith.shrsi %broadcast_in_dim3A_108, %or3A_105 : vector<16xi32>
      %and3A_110 = vector.broadcast %scan3A : i32 to vector<16xi32>
      %and3A_111 = arith.andi %shift_right_arithmetic3A_109, %and3A_110 : vector<16xi32>
      %eq3A_112 = arith.constant 3 : i32
      %eq3A_113 = vector.broadcast %eq3A_112 : i32 to vector<16xi32>
      %eq3A_114 = arith.cmpi eq, %iota3A, %eq3A_113 : vector<16xi32>
      %select_n3A_115 = arith.select %eq3A_114, %or3A_105, %select_n3A_99 : vector<16xi1>, vector<16xi32>
      %select_n3A_116 = arith.select %eq3A_114, %and3A_111, %select_n3A_100 : vector<16xi1>, vector<16xi32>
      %shift_left3A_117 = vector.broadcast %scan3A : i32 to vector<16xi32>
      %shift_left3A_118 = arith.shli %or3A_105, %shift_left3A_117 : vector<16xi32>
      %and3A_119 = vector.broadcast %scan3A_39 : i32 to vector<16xi32>
      %and3A_120 = arith.andi %shift_left3A_118, %and3A_119 : vector<16xi32>
      %or3A_121 = arith.ori %and3A_120, %and3A_111 : vector<16xi32>
      %slice3A_122 = vector.extract_strided_slice %get3A_58 {offsets = [4], sizes = [1], strides = [1]} : vector<16xi32> to vector<1xi32>
      %squeeze3A_123 = vector.extract %slice3A_122[0] : i32 from vector<1xi32>
      %broadcast_in_dim3A_124 = vector.broadcast %squeeze3A_123 : i32 to vector<16xi32>
      %shift_right_arithmetic3A_125 = arith.shrsi %broadcast_in_dim3A_124, %or3A_121 : vector<16xi32>
      %and3A_126 = vector.broadcast %scan3A : i32 to vector<16xi32>
      %and3A_127 = arith.andi %shift_right_arithmetic3A_125, %and3A_126 : vector<16xi32>
      %eq3A_128 = arith.constant 4 : i32
      %eq3A_129 = vector.broadcast %eq3A_128 : i32 to vector<16xi32>
      %eq3A_130 = arith.cmpi eq, %iota3A, %eq3A_129 : vector<16xi32>
      %select_n3A_131 = arith.select %eq3A_130, %or3A_121, %select_n3A_115 : vector<16xi1>, vector<16xi32>
      %select_n3A_132 = arith.select %eq3A_130, %and3A_127, %select_n3A_116 : vector<16xi1>, vector<16xi32>
      %shift_left3A_133 = vector.broadcast %scan3A : i32 to vector<16xi32>
      %shift_left3A_134 = arith.shli %or3A_121, %shift_left3A_133 : vector<16xi32>
      %and3A_135 = vector.broadcast %scan3A_39 : i32 to vector<16xi32>
      %and3A_136 = arith.andi %shift_left3A_134, %and3A_135 : vector<16xi32>
      %or3A_137 = arith.ori %and3A_136, %and3A_127 : vector<16xi32>
      %slice3A_138 = vector.extract_strided_slice %get3A_58 {offsets = [5], sizes = [1], strides = [1]} : vector<16xi32> to vector<1xi32>
      %squeeze3A_139 = vector.extract %slice3A_138[0] : i32 from vector<1xi32>
      %broadcast_in_dim3A_140 = vector.broadcast %squeeze3A_139 : i32 to vector<16xi32>
      %shift_right_arithmetic3A_141 = arith.shrsi %broadcast_in_dim3A_140, %or3A_137 : vector<16xi32>
      %and3A_142 = vector.broadcast %scan3A : i32 to vector<16xi32>
      %and3A_143 = arith.andi %shift_right_arithmetic3A_141, %and3A_142 : vector<16xi32>
      %eq3A_144 = arith.constant 5 : i32
      %eq3A_145 = vector.broadcast %eq3A_144 : i32 to vector<16xi32>
      %eq3A_146 = arith.cmpi eq, %iota3A, %eq3A_145 : vector<16xi32>
      %select_n3A_147 = arith.select %eq3A_146, %or3A_137, %select_n3A_131 : vector<16xi1>, vector<16xi32>
      %select_n3A_148 = arith.select %eq3A_146, %and3A_143, %select_n3A_132 : vector<16xi1>, vector<16xi32>
      %shift_left3A_149 = vector.broadcast %scan3A : i32 to vector<16xi32>
      %shift_left3A_150 = arith.shli %or3A_137, %shift_left3A_149 : vector<16xi32>
      %and3A_151 = vector.broadcast %scan3A_39 : i32 to vector<16xi32>
      %and3A_152 = arith.andi %shift_left3A_150, %and3A_151 : vector<16xi32>
      %or3A_153 = arith.ori %and3A_152, %and3A_143 : vector<16xi32>
      %slice3A_154 = vector.extract_strided_slice %get3A_58 {offsets = [6], sizes = [1], strides = [1]} : vector<16xi32> to vector<1xi32>
      %squeeze3A_155 = vector.extract %slice3A_154[0] : i32 from vector<1xi32>
      %broadcast_in_dim3A_156 = vector.broadcast %squeeze3A_155 : i32 to vector<16xi32>
      %shift_right_arithmetic3A_157 = arith.shrsi %broadcast_in_dim3A_156, %or3A_153 : vector<16xi32>
      %and3A_158 = vector.broadcast %scan3A : i32 to vector<16xi32>
      %and3A_159 = arith.andi %shift_right_arithmetic3A_157, %and3A_158 : vector<16xi32>
      %eq3A_160 = arith.constant 6 : i32
      %eq3A_161 = vector.broadcast %eq3A_160 : i32 to vector<16xi32>
      %eq3A_162 = arith.cmpi eq, %iota3A, %eq3A_161 : vector<16xi32>
      %select_n3A_163 = arith.select %eq3A_162, %or3A_153, %select_n3A_147 : vector<16xi1>, vector<16xi32>
      %select_n3A_164 = arith.select %eq3A_162, %and3A_159, %select_n3A_148 : vector<16xi1>, vector<16xi32>
      %shift_left3A_165 = vector.broadcast %scan3A : i32 to vector<16xi32>
      %shift_left3A_166 = arith.shli %or3A_153, %shift_left3A_165 : vector<16xi32>
      %and3A_167 = vector.broadcast %scan3A_39 : i32 to vector<16xi32>
      %and3A_168 = arith.andi %shift_left3A_166, %and3A_167 : vector<16xi32>
      %or3A_169 = arith.ori %and3A_168, %and3A_159 : vector<16xi32>
      %slice3A_170 = vector.extract_strided_slice %get3A_58 {offsets = [7], sizes = [1], strides = [1]} : vector<16xi32> to vector<1xi32>
      %squeeze3A_171 = vector.extract %slice3A_170[0] : i32 from vector<1xi32>
      %broadcast_in_dim3A_172 = vector.broadcast %squeeze3A_171 : i32 to vector<16xi32>
      %shift_right_arithmetic3A_173 = arith.shrsi %broadcast_in_dim3A_172, %or3A_169 : vector<16xi32>
      %and3A_174 = vector.broadcast %scan3A : i32 to vector<16xi32>
      %and3A_175 = arith.andi %shift_right_arithmetic3A_173, %and3A_174 : vector<16xi32>
      %eq3A_176 = arith.constant 7 : i32
      %eq3A_177 = vector.broadcast %eq3A_176 : i32 to vector<16xi32>
      %eq3A_178 = arith.cmpi eq, %iota3A, %eq3A_177 : vector<16xi32>
      %select_n3A_179 = arith.select %eq3A_178, %or3A_169, %select_n3A_163 : vector<16xi1>, vector<16xi32>
      %select_n3A_180 = arith.select %eq3A_178, %and3A_175, %select_n3A_164 : vector<16xi1>, vector<16xi32>
      %shift_left3A_181 = vector.broadcast %scan3A : i32 to vector<16xi32>
      %shift_left3A_182 = arith.shli %or3A_169, %shift_left3A_181 : vector<16xi32>
      %and3A_183 = vector.broadcast %scan3A_39 : i32 to vector<16xi32>
      %and3A_184 = arith.andi %shift_left3A_182, %and3A_183 : vector<16xi32>
      %or3A_185 = arith.ori %and3A_184, %and3A_175 : vector<16xi32>
      %slice3A_186 = vector.extract_strided_slice %get3A_58 {offsets = [8], sizes = [1], strides = [1]} : vector<16xi32> to vector<1xi32>
      %squeeze3A_187 = vector.extract %slice3A_186[0] : i32 from vector<1xi32>
      %broadcast_in_dim3A_188 = vector.broadcast %squeeze3A_187 : i32 to vector<16xi32>
      %shift_right_arithmetic3A_189 = arith.shrsi %broadcast_in_dim3A_188, %or3A_185 : vector<16xi32>
      %and3A_190 = vector.broadcast %scan3A : i32 to vector<16xi32>
      %and3A_191 = arith.andi %shift_right_arithmetic3A_189, %and3A_190 : vector<16xi32>
      %eq3A_192 = arith.constant 8 : i32
      %eq3A_193 = vector.broadcast %eq3A_192 : i32 to vector<16xi32>
      %eq3A_194 = arith.cmpi eq, %iota3A, %eq3A_193 : vector<16xi32>
      %select_n3A_195 = arith.select %eq3A_194, %or3A_185, %select_n3A_179 : vector<16xi1>, vector<16xi32>
      %select_n3A_196 = arith.select %eq3A_194, %and3A_191, %select_n3A_180 : vector<16xi1>, vector<16xi32>
      %shift_left3A_197 = vector.broadcast %scan3A : i32 to vector<16xi32>
      %shift_left3A_198 = arith.shli %or3A_185, %shift_left3A_197 : vector<16xi32>
      %and3A_199 = vector.broadcast %scan3A_39 : i32 to vector<16xi32>
      %and3A_200 = arith.andi %shift_left3A_198, %and3A_199 : vector<16xi32>
      %or3A_201 = arith.ori %and3A_200, %and3A_191 : vector<16xi32>
      %slice3A_202 = vector.extract_strided_slice %get3A_58 {offsets = [9], sizes = [1], strides = [1]} : vector<16xi32> to vector<1xi32>
      %squeeze3A_203 = vector.extract %slice3A_202[0] : i32 from vector<1xi32>
      %broadcast_in_dim3A_204 = vector.broadcast %squeeze3A_203 : i32 to vector<16xi32>
      %shift_right_arithmetic3A_205 = arith.shrsi %broadcast_in_dim3A_204, %or3A_201 : vector<16xi32>
      %and3A_206 = vector.broadcast %scan3A : i32 to vector<16xi32>
      %and3A_207 = arith.andi %shift_right_arithmetic3A_205, %and3A_206 : vector<16xi32>
      %eq3A_208 = arith.constant 9 : i32
      %eq3A_209 = vector.broadcast %eq3A_208 : i32 to vector<16xi32>
      %eq3A_210 = arith.cmpi eq, %iota3A, %eq3A_209 : vector<16xi32>
      %select_n3A_211 = arith.select %eq3A_210, %or3A_201, %select_n3A_195 : vector<16xi1>, vector<16xi32>
      %select_n3A_212 = arith.select %eq3A_210, %and3A_207, %select_n3A_196 : vector<16xi1>, vector<16xi32>
      %shift_left3A_213 = vector.broadcast %scan3A : i32 to vector<16xi32>
      %shift_left3A_214 = arith.shli %or3A_201, %shift_left3A_213 : vector<16xi32>
      %and3A_215 = vector.broadcast %scan3A_39 : i32 to vector<16xi32>
      %and3A_216 = arith.andi %shift_left3A_214, %and3A_215 : vector<16xi32>
      %or3A_217 = arith.ori %and3A_216, %and3A_207 : vector<16xi32>
      %slice3A_218 = vector.extract_strided_slice %get3A_58 {offsets = [10], sizes = [1], strides = [1]} : vector<16xi32> to vector<1xi32>
      %squeeze3A_219 = vector.extract %slice3A_218[0] : i32 from vector<1xi32>
      %broadcast_in_dim3A_220 = vector.broadcast %squeeze3A_219 : i32 to vector<16xi32>
      %shift_right_arithmetic3A_221 = arith.shrsi %broadcast_in_dim3A_220, %or3A_217 : vector<16xi32>
      %and3A_222 = vector.broadcast %scan3A : i32 to vector<16xi32>
      %and3A_223 = arith.andi %shift_right_arithmetic3A_221, %and3A_222 : vector<16xi32>
      %eq3A_224 = arith.constant 10 : i32
      %eq3A_225 = vector.broadcast %eq3A_224 : i32 to vector<16xi32>
      %eq3A_226 = arith.cmpi eq, %iota3A, %eq3A_225 : vector<16xi32>
      %select_n3A_227 = arith.select %eq3A_226, %or3A_217, %select_n3A_211 : vector<16xi1>, vector<16xi32>
      %select_n3A_228 = arith.select %eq3A_226, %and3A_223, %select_n3A_212 : vector<16xi1>, vector<16xi32>
      %shift_left3A_229 = vector.broadcast %scan3A : i32 to vector<16xi32>
      %shift_left3A_230 = arith.shli %or3A_217, %shift_left3A_229 : vector<16xi32>
      %and3A_231 = vector.broadcast %scan3A_39 : i32 to vector<16xi32>
      %and3A_232 = arith.andi %shift_left3A_230, %and3A_231 : vector<16xi32>
      %or3A_233 = arith.ori %and3A_232, %and3A_223 : vector<16xi32>
      %slice3A_234 = vector.extract_strided_slice %get3A_58 {offsets = [11], sizes = [1], strides = [1]} : vector<16xi32> to vector<1xi32>
      %squeeze3A_235 = vector.extract %slice3A_234[0] : i32 from vector<1xi32>
      %broadcast_in_dim3A_236 = vector.broadcast %squeeze3A_235 : i32 to vector<16xi32>
      %shift_right_arithmetic3A_237 = arith.shrsi %broadcast_in_dim3A_236, %or3A_233 : vector<16xi32>
      %and3A_238 = vector.broadcast %scan3A : i32 to vector<16xi32>
      %and3A_239 = arith.andi %shift_right_arithmetic3A_237, %and3A_238 : vector<16xi32>
      %eq3A_240 = arith.constant 11 : i32
      %eq3A_241 = vector.broadcast %eq3A_240 : i32 to vector<16xi32>
      %eq3A_242 = arith.cmpi eq, %iota3A, %eq3A_241 : vector<16xi32>
      %select_n3A_243 = arith.select %eq3A_242, %or3A_233, %select_n3A_227 : vector<16xi1>, vector<16xi32>
      %select_n3A_244 = arith.select %eq3A_242, %and3A_239, %select_n3A_228 : vector<16xi1>, vector<16xi32>
      %shift_left3A_245 = vector.broadcast %scan3A : i32 to vector<16xi32>
      %shift_left3A_246 = arith.shli %or3A_233, %shift_left3A_245 : vector<16xi32>
      %and3A_247 = vector.broadcast %scan3A_39 : i32 to vector<16xi32>
      %and3A_248 = arith.andi %shift_left3A_246, %and3A_247 : vector<16xi32>
      %or3A_249 = arith.ori %and3A_248, %and3A_239 : vector<16xi32>
      %slice3A_250 = vector.extract_strided_slice %get3A_58 {offsets = [12], sizes = [1], strides = [1]} : vector<16xi32> to vector<1xi32>
      %squeeze3A_251 = vector.extract %slice3A_250[0] : i32 from vector<1xi32>
      %broadcast_in_dim3A_252 = vector.broadcast %squeeze3A_251 : i32 to vector<16xi32>
      %shift_right_arithmetic3A_253 = arith.shrsi %broadcast_in_dim3A_252, %or3A_249 : vector<16xi32>
      %and3A_254 = vector.broadcast %scan3A : i32 to vector<16xi32>
      %and3A_255 = arith.andi %shift_right_arithmetic3A_253, %and3A_254 : vector<16xi32>
      %eq3A_256 = arith.constant 12 : i32
      %eq3A_257 = vector.broadcast %eq3A_256 : i32 to vector<16xi32>
      %eq3A_258 = arith.cmpi eq, %iota3A, %eq3A_257 : vector<16xi32>
      %select_n3A_259 = arith.select %eq3A_258, %or3A_249, %select_n3A_243 : vector<16xi1>, vector<16xi32>
      %select_n3A_260 = arith.select %eq3A_258, %and3A_255, %select_n3A_244 : vector<16xi1>, vector<16xi32>
      %shift_left3A_261 = vector.broadcast %scan3A : i32 to vector<16xi32>
      %shift_left3A_262 = arith.shli %or3A_249, %shift_left3A_261 : vector<16xi32>
      %and3A_263 = vector.broadcast %scan3A_39 : i32 to vector<16xi32>
      %and3A_264 = arith.andi %shift_left3A_262, %and3A_263 : vector<16xi32>
      %or3A_265 = arith.ori %and3A_264, %and3A_255 : vector<16xi32>
      %slice3A_266 = vector.extract_strided_slice %get3A_58 {offsets = [13], sizes = [1], strides = [1]} : vector<16xi32> to vector<1xi32>
      %squeeze3A_267 = vector.extract %slice3A_266[0] : i32 from vector<1xi32>
      %broadcast_in_dim3A_268 = vector.broadcast %squeeze3A_267 : i32 to vector<16xi32>
      %shift_right_arithmetic3A_269 = arith.shrsi %broadcast_in_dim3A_268, %or3A_265 : vector<16xi32>
      %and3A_270 = vector.broadcast %scan3A : i32 to vector<16xi32>
      %and3A_271 = arith.andi %shift_right_arithmetic3A_269, %and3A_270 : vector<16xi32>
      %eq3A_272 = arith.constant 13 : i32
      %eq3A_273 = vector.broadcast %eq3A_272 : i32 to vector<16xi32>
      %eq3A_274 = arith.cmpi eq, %iota3A, %eq3A_273 : vector<16xi32>
      %select_n3A_275 = arith.select %eq3A_274, %or3A_265, %select_n3A_259 : vector<16xi1>, vector<16xi32>
      %select_n3A_276 = arith.select %eq3A_274, %and3A_271, %select_n3A_260 : vector<16xi1>, vector<16xi32>
      %shift_left3A_277 = vector.broadcast %scan3A : i32 to vector<16xi32>
      %shift_left3A_278 = arith.shli %or3A_265, %shift_left3A_277 : vector<16xi32>
      %and3A_279 = vector.broadcast %scan3A_39 : i32 to vector<16xi32>
      %and3A_280 = arith.andi %shift_left3A_278, %and3A_279 : vector<16xi32>
      %or3A_281 = arith.ori %and3A_280, %and3A_271 : vector<16xi32>
      %slice3A_282 = vector.extract_strided_slice %get3A_58 {offsets = [14], sizes = [1], strides = [1]} : vector<16xi32> to vector<1xi32>
      %squeeze3A_283 = vector.extract %slice3A_282[0] : i32 from vector<1xi32>
      %broadcast_in_dim3A_284 = vector.broadcast %squeeze3A_283 : i32 to vector<16xi32>
      %shift_right_arithmetic3A_285 = arith.shrsi %broadcast_in_dim3A_284, %or3A_281 : vector<16xi32>
      %and3A_286 = vector.broadcast %scan3A : i32 to vector<16xi32>
      %and3A_287 = arith.andi %shift_right_arithmetic3A_285, %and3A_286 : vector<16xi32>
      %eq3A_288 = arith.constant 14 : i32
      %eq3A_289 = vector.broadcast %eq3A_288 : i32 to vector<16xi32>
      %eq3A_290 = arith.cmpi eq, %iota3A, %eq3A_289 : vector<16xi32>
      %select_n3A_291 = arith.select %eq3A_290, %or3A_281, %select_n3A_275 : vector<16xi1>, vector<16xi32>
      %select_n3A_292 = arith.select %eq3A_290, %and3A_287, %select_n3A_276 : vector<16xi1>, vector<16xi32>
      %shift_left3A_293 = vector.broadcast %scan3A : i32 to vector<16xi32>
      %shift_left3A_294 = arith.shli %or3A_281, %shift_left3A_293 : vector<16xi32>
      %and3A_295 = vector.broadcast %scan3A_39 : i32 to vector<16xi32>
      %and3A_296 = arith.andi %shift_left3A_294, %and3A_295 : vector<16xi32>
      %or3A_297 = arith.ori %and3A_296, %and3A_287 : vector<16xi32>
      %slice3A_298 = vector.extract_strided_slice %get3A_58 {offsets = [15], sizes = [1], strides = [1]} : vector<16xi32> to vector<1xi32>
      %squeeze3A_299 = vector.extract %slice3A_298[0] : i32 from vector<1xi32>
      %broadcast_in_dim3A_300 = vector.broadcast %squeeze3A_299 : i32 to vector<16xi32>
      %shift_right_arithmetic3A_301 = arith.shrsi %broadcast_in_dim3A_300, %or3A_297 : vector<16xi32>
      %and3A_302 = vector.broadcast %scan3A : i32 to vector<16xi32>
      %and3A_303 = arith.andi %shift_right_arithmetic3A_301, %and3A_302 : vector<16xi32>
      %eq3A_304 = arith.constant 15 : i32
      %eq3A_305 = vector.broadcast %eq3A_304 : i32 to vector<16xi32>
      %eq3A_306 = arith.cmpi eq, %iota3A, %eq3A_305 : vector<16xi32>
      %select_n3A_307 = arith.select %eq3A_306, %or3A_297, %select_n3A_291 : vector<16xi1>, vector<16xi32>
      %select_n3A_308 = arith.select %eq3A_306, %and3A_303, %select_n3A_292 : vector<16xi1>, vector<16xi32>
      %shift_left3A_309 = vector.broadcast %scan3A : i32 to vector<16xi32>
      %shift_left3A_310 = arith.shli %or3A_297, %shift_left3A_309 : vector<16xi32>
      %and3A_311 = vector.broadcast %scan3A_39 : i32 to vector<16xi32>
      %and3A_312 = arith.andi %shift_left3A_310, %and3A_311 : vector<16xi32>
      %or3A_313 = arith.ori %and3A_312, %and3A_303 : vector<16xi32>
      %shift_right_arithmetic3A_314 = arith.constant 4 : i32
      %shift_right_arithmetic3A_315 = arith.shrsi %scan3A_54, %shift_right_arithmetic3A_314 : i32
      %sub3A_316 = arith.subi %shift_right_arithmetic3A_315, %select_n3A_30 : i32
      %neg3A = arith.constant 0 : i32
      %neg3A_317 = arith.subi %neg3A, %sub3A_316 : i32
      %or3A_318 = arith.ori %sub3A_316, %neg3A_317 : i32
      %shift_right_arithmetic3A_319 = arith.constant 31 : i32
      %shift_right_arithmetic3A_320 = arith.shrsi %or3A_318, %shift_right_arithmetic3A_319 : i32
      %add3A_321 = arith.addi %shift_right_arithmetic3A_320, %scan3A : i32
      %mul3A_322 = arith.constant 16 : i32
      %mul3A_323 = arith.muli %select_n3A_30, %mul3A_322 : i32
      %sub3A_324 = arith.subi %scan3A_54, %mul3A_323 : i32
      %mul3A_325 = arith.constant 16 : i32
      %mul3A_326 = arith.muli %sub3A_324, %mul3A_325 : i32
      %mul3A_327 = arith.muli %add3A_321, %mul3A_326 : i32
      %sub3A_328 = arith.subi %scan3A, %add3A_321 : i32
      %mul3A_329 = arith.constant 256 : i32
      %mul3A_330 = arith.muli %sub3A_328, %mul3A_329 : i32
      %add3A_331 = arith.addi %mul3A_327, %mul3A_330 : i32
      %swap3A = arith.index_cast %add3A_331 : i32 to index
      %swap3A_332 = tpu.vector_load %arg8[%swap3A] {strides = array<i32>} : memref<272xi32, #tpu.memory_space<vmem>>, vector<16xi32>,
      tpu.vector_store %arg8[%swap3A], %select_n3A_307 {strides = array<i32>} : memref<272xi32, #tpu.memory_space<vmem>>, vector<16xi32>,
      %swap3A_333 = arith.index_cast %add3A_331 : i32 to index
      %swap3A_334 = tpu.vector_load %arg9[%swap3A_333] {strides = array<i32>} : memref<272xi32, #tpu.memory_space<vmem>>, vector<16xi32>,
      tpu.vector_store %arg9[%swap3A_333], %select_n3A_308 {strides = array<i32>} : memref<272xi32, #tpu.memory_space<vmem>>, vector<16xi32>,
      scf.yield %or3A_313 : vector<16xi32>
    }
    %scan3A_45 = arith.constant 128 : i32
    %scan3A_46 = arith.constant 1 : i32
    %scan3A_47 = arith.constant 0 : i32
    %scan3A_48 = arith.constant 0 : i32
    %scan3A_49 = arith.constant 16 : i32
    %scan3A_50 = arith.addi %scan3A_48, %scan3A_49 : i32
    %scan3A_51 = arith.constant 1 : i32
    %scan3A_52 = scf.for %scan3A_54 = %scan3A_48 to %scan3A_50 step %scan3A_51 iter_args(%scan3A_55 = %scan3A_47) -> (i32)  : i32 {
      %mul3A_56 = arith.constant 16 : i32
      %mul3A_57 = arith.muli %scan3A_54, %mul3A_56 : i32
      %get3A = arith.index_cast %mul3A_57 : i32 to index
      %get3A_58 = tpu.vector_load %arg8[%get3A] {strides = array<i32>} : memref<272xi32, #tpu.memory_space<vmem>>, vector<16xi32>,
      %get3A_59 = arith.index_cast %mul3A_57 : i32 to index
      %get3A_60 = tpu.vector_load %arg9[%get3A_59] {strides = array<i32>} : memref<272xi32, #tpu.memory_space<vmem>>, vector<16xi32>,
      %mul3A_61 = arith.constant 16 : i32
      %mul3A_62 = arith.muli %scan3A_54, %mul3A_61 : i32
      %add3A_63 = vector.broadcast %mul3A_62 : i32 to vector<16xi32>
      %add3A_64 = arith.addi %iota3A, %add3A_63 : vector<16xi32>
      %shift_right_arithmetic3A = arith.constant 3 : i32
      %shift_right_arithmetic3A_65 = vector.broadcast %shift_right_arithmetic3A : i32 to vector<16xi32>
      %shift_right_arithmetic3A_66 = arith.shrsi %get3A_58, %shift_right_arithmetic3A_65 : vector<16xi32>
      %and3A_67 = vector.broadcast %scan3A_46 : i32 to vector<16xi32>
      %and3A_68 = arith.andi %shift_right_arithmetic3A_66, %and3A_67 : vector<16xi32>
      %convert_element_type3A = arith.sitofp %and3A_68 : vector<16xi32> to vector<16xf32>
      %shift_right_arithmetic3A_69 = arith.constant 2 : i32
      %shift_right_arithmetic3A_70 = vector.broadcast %shift_right_arithmetic3A_69 : i32 to vector<16xi32>
      %shift_right_arithmetic3A_71 = arith.shrsi %get3A_58, %shift_right_arithmetic3A_70 : vector<16xi32>
      %and3A_72 = vector.broadcast %scan3A_46 : i32 to vector<16xi32>
      %and3A_73 = arith.andi %shift_right_arithmetic3A_71, %and3A_72 : vector<16xi32>
      %convert_element_type3A_74 = arith.sitofp %and3A_73 : vector<16xi32> to vector<16xf32>
      %shift_right_arithmetic3A_75 = arith.constant 1 : i32
      %shift_right_arithmetic3A_76 = vector.broadcast %shift_right_arithmetic3A_75 : i32 to vector<16xi32>
      %shift_right_arithmetic3A_77 = arith.shrsi %get3A_58, %shift_right_arithmetic3A_76 : vector<16xi32>
      %and3A_78 = vector.broadcast %scan3A_46 : i32 to vector<16xi32>
      %and3A_79 = arith.andi %shift_right_arithmetic3A_77, %and3A_78 : vector<16xi32>
      %convert_element_type3A_80 = arith.sitofp %and3A_79 : vector<16xi32> to vector<16xf32>
      %and3A_81 = vector.broadcast %scan3A_46 : i32 to vector<16xi32>
      %and3A_82 = arith.andi %get3A_58, %and3A_81 : vector<16xi32>
      %convert_element_type3A_83 = arith.sitofp %and3A_82 : vector<16xi32> to vector<16xf32>
      %broadcast_in_dim3A_84 = arith.constant 0 : i32
      %broadcast_in_dim3A_85 = vector.broadcast %broadcast_in_dim3A_84 : i32 to vector<16xi32>
      %gather3A = tpu.vector_load_idx %arg7[%add3A_64, %broadcast_in_dim3A_85] : memref<256x8xf32, #tpu.memory_space<vmem>>[vector<16xi32>, vector<16xi32>], vector<16xf32>,
      %broadcast_in_dim3A_86 = arith.constant 1 : i32
      %broadcast_in_dim3A_87 = vector.broadcast %broadcast_in_dim3A_86 : i32 to vector<16xi32>
      %gather3A_88 = tpu.vector_load_idx %arg7[%add3A_64, %broadcast_in_dim3A_87] : memref<256x8xf32, #tpu.memory_space<vmem>>[vector<16xi32>, vector<16xi32>], vector<16xf32>,
      %broadcast_in_dim3A_89 = arith.constant 2 : i32
      %broadcast_in_dim3A_90 = vector.broadcast %broadcast_in_dim3A_89 : i32 to vector<16xi32>
      %gather3A_91 = tpu.vector_load_idx %arg7[%add3A_64, %broadcast_in_dim3A_90] : memref<256x8xf32, #tpu.memory_space<vmem>>[vector<16xi32>, vector<16xi32>], vector<16xf32>,
      %broadcast_in_dim3A_92 = arith.constant 3 : i32
      %broadcast_in_dim3A_93 = vector.broadcast %broadcast_in_dim3A_92 : i32 to vector<16xi32>
      %gather3A_94 = tpu.vector_load_idx %arg7[%add3A_64, %broadcast_in_dim3A_93] : memref<256x8xf32, #tpu.memory_space<vmem>>[vector<16xi32>, vector<16xi32>], vector<16xf32>,
      %broadcast_in_dim3A_95 = arith.constant 4 : i32
      %broadcast_in_dim3A_96 = vector.broadcast %broadcast_in_dim3A_95 : i32 to vector<16xi32>
      %gather3A_97 = tpu.vector_load_idx %arg7[%add3A_64, %broadcast_in_dim3A_96] : memref<256x8xf32, #tpu.memory_space<vmem>>[vector<16xi32>, vector<16xi32>], vector<16xf32>,
      %mul3A_98 = arith.mulf %gather3A_88, %convert_element_type3A : vector<16xf32>
      %add3A_99 = arith.addf %gather3A, %mul3A_98 : vector<16xf32>
      %mul3A_100 = arith.mulf %gather3A_91, %convert_element_type3A_74 : vector<16xf32>
      %add3A_101 = arith.addf %add3A_99, %mul3A_100 : vector<16xf32>
      %mul3A_102 = arith.mulf %gather3A_94, %convert_element_type3A_80 : vector<16xf32>
      %add3A_103 = arith.addf %add3A_101, %mul3A_102 : vector<16xf32>
      %mul3A_104 = arith.mulf %gather3A_97, %convert_element_type3A_83 : vector<16xf32>
      %add3A_105 = arith.addf %add3A_103, %mul3A_104 : vector<16xf32>
      %swap3A = arith.index_cast %mul3A_57 : i32 to index
      %swap3A_106 = tpu.vector_load %arg10[%swap3A] {strides = array<i32>} : memref<256xf32, #tpu.memory_space<vmem>>, vector<16xf32>,
      tpu.vector_store %arg10[%swap3A], %add3A_105 {strides = array<i32>} : memref<256xf32, #tpu.memory_space<vmem>>, vector<16xf32>,
      %convert_element_type3A_107 = arith.sitofp %get3A_60 : vector<16xi32> to vector<16xf32>
      %swap3A_108 = arith.index_cast %mul3A_57 : i32 to index
      %swap3A_109 = tpu.vector_load %arg11[%swap3A_108] {strides = array<i32>} : memref<256xf32, #tpu.memory_space<vmem>>, vector<16xf32>,
      tpu.vector_store %arg11[%swap3A_108], %convert_element_type3A_107 {strides = array<i32>} : memref<256xf32, #tpu.memory_space<vmem>>, vector<16xf32>,
      %scan3A_110 = arith.constant 0 : i32
      scf.yield %scan3A_110 : i32
    }
    %scan3A_53 = arith.constant 16 : i32
    "tpu.region"() ({
      %run_scoped3A = tpu.sem_alloc : memref<!tpu.dma_semaphore, #tpu.memory_space<semaphore_mem>>
      %dma_start3A = tpu.memref_slice %arg4[%add3A_35] : memref<8192xf32, #tpu.memory_space<hbm>> -> memref<256xf32, #tpu.memory_space<hbm>>
      %dma_start3A_54 = tpu.memref_slice %arg4[%add3A_35] : memref<8192xf32, #tpu.memory_space<hbm>> -> memref<256xf32, #tpu.memory_space<hbm>>
      tpu.enqueue_dma source(%arg10 : memref<256xf32, #tpu.memory_space<vmem>>) target(%dma_start3A_54 : memref<256xf32, #tpu.memory_space<hbm>>) target_semaphore(%run_scoped3A : memref<!tpu.dma_semaphore, #tpu.memory_space<semaphore_mem>>)
      %dma_wait3A = tpu.memref_slice %arg4[%add3A_35] : memref<8192xf32, #tpu.memory_space<hbm>> -> memref<256xf32, #tpu.memory_space<hbm>>
      %dma_wait3A_55 = tpu.memref_slice %arg4[%add3A_35] : memref<8192xf32, #tpu.memory_space<hbm>> -> memref<256xf32, #tpu.memory_space<hbm>>
      tpu.wait_dma2 semaphore(%run_scoped3A : memref<!tpu.dma_semaphore, #tpu.memory_space<semaphore_mem>>) src(%arg10 : memref<256xf32, #tpu.memory_space<vmem>>) dst(%dma_wait3A_55 : memref<256xf32, #tpu.memory_space<hbm>>)
      tpu.yield
    }) : () -> ()
    "tpu.region"() ({
      %run_scoped3A = tpu.sem_alloc : memref<!tpu.dma_semaphore, #tpu.memory_space<semaphore_mem>>
      %dma_start3A = tpu.memref_slice %arg5[%add3A_35] : memref<8192xf32, #tpu.memory_space<hbm>> -> memref<256xf32, #tpu.memory_space<hbm>>
      %dma_start3A_54 = tpu.memref_slice %arg5[%add3A_35] : memref<8192xf32, #tpu.memory_space<hbm>> -> memref<256xf32, #tpu.memory_space<hbm>>
      tpu.enqueue_dma source(%arg11 : memref<256xf32, #tpu.memory_space<vmem>>) target(%dma_start3A_54 : memref<256xf32, #tpu.memory_space<hbm>>) target_semaphore(%run_scoped3A : memref<!tpu.dma_semaphore, #tpu.memory_space<semaphore_mem>>)
      %dma_wait3A = tpu.memref_slice %arg5[%add3A_35] : memref<8192xf32, #tpu.memory_space<hbm>> -> memref<256xf32, #tpu.memory_space<hbm>>
      %dma_wait3A_55 = tpu.memref_slice %arg5[%add3A_35] : memref<8192xf32, #tpu.memory_space<hbm>> -> memref<256xf32, #tpu.memory_space<hbm>>
      tpu.wait_dma2 semaphore(%run_scoped3A : memref<!tpu.dma_semaphore, #tpu.memory_space<semaphore_mem>>) src(%arg11 : memref<256xf32, #tpu.memory_space<vmem>>) dst(%dma_wait3A_55 : memref<256xf32, #tpu.memory_space<hbm>>)
      tpu.yield
    }) : () -> ()
    return
  }
}

module attributes {stable_mosaic.version = 14 : i64} {
  func.func @_hyp_body(%arg0: i32, %arg1: memref<512x1024xf32, #tpu.memory_space<vmem>>, %arg2: memref<1024x5xf32, #tpu.memory_space<vmem>>, %arg3: memref<1x5xf32, #tpu.memory_space<vmem>>, %arg4: memref<512x16xf32, #tpu.memory_space<vmem>>, %arg5: memref<512x8xf32, #tpu.memory_space<vmem>>, %arg6: memref<512x1xi32, #tpu.memory_space<vmem>>) attributes {dimension_semantics = [#tpu.dimension_semantics<arbitrary>], iteration_bounds = array<i64: 16>, scalar_prefetch = 0 : i64, scratch_operands = 0 : i64, tpu.core_type = #tpu.core_type<tc>, window_params = [{transform_indices = @transform_0, window_bounds = array<i64: 512, 1024>}, {pipeline_mode = #tpu.pipeline_mode<synchronous>, transform_indices = @transform_1, window_bounds = array<i64: 1024, 5>}, {pipeline_mode = #tpu.pipeline_mode<synchronous>, transform_indices = @transform_2, window_bounds = array<i64: 1, 5>}, {transform_indices = @transform_3, window_bounds = array<i64: 512, 16>}, {transform_indices = @transform_4, window_bounds = array<i64: 512, 8>}, {transform_indices = @transform_5, window_bounds = array<i64: 512, 1>}]} {
    %get3A = arith.constant 0 : index
    %get3A_0 = arith.constant 0 : index
    %get3A_1 = vector.load %arg1[%get3A, %get3A_0] : memref<512x1024xf32, #tpu.memory_space<vmem>>, vector<512x1024xf32>
    %get3A_2 = arith.constant 0 : index
    %get3A_3 = arith.constant 0 : index
    %get3A_4 = vector.load %arg2[%get3A_2, %get3A_3] : memref<1024x5xf32, #tpu.memory_space<vmem>>, vector<1024x5xf32>
    %dot_general3A = arith.constant dense<0.000000e+00> : vector<512x5xf32>
    %dot_general3A_5 = tpu.matmul %get3A_1, %get3A_4, %dot_general3A {dimension_numbers = #tpu.dot_dimension_numbers<[1], [0], [0], [1], [0, 0, 1, 1], [], []>, transpose_lhs_hint = false} : vector<512x1024xf32>, vector<1024x5xf32>, vector<512x5xf32> -> vector<512x5xf32>
    %get3A_6 = arith.constant 0 : index
    %get3A_7 = arith.constant 0 : index
    %get3A_8 = vector.load %arg3[%get3A_6, %get3A_7] : memref<1x5xf32, #tpu.memory_space<vmem>>, vector<1x5xf32>
    %add3A = vector.broadcast %get3A_8 : vector<1x5xf32> to vector<512x5xf32>
    %add3A_9 = arith.addf %dot_general3A_5, %add3A : vector<512x5xf32>
    %broadcast_in_dim3A = arith.constant 0.000000e+00 : f32
    %broadcast_in_dim3A_10 = vector.broadcast %broadcast_in_dim3A : f32 to vector<512x3xf32>
    %concatenate3A = tpu.concatenate %add3A_9, %broadcast_in_dim3A_10 in 1 : vector<512x5xf32>, vector<512x3xf32> -> vector<512x8xf32>
    %swap3A = arith.constant 0 : index
    %swap3A_11 = arith.constant 0 : index
    %swap3A_12 = vector.load %arg5[%swap3A, %swap3A_11] : memref<512x8xf32, #tpu.memory_space<vmem>>, vector<512x8xf32>
    tpu.vector_store %arg5[%swap3A, %swap3A_11], %concatenate3A {strides = array<i32>} : memref<512x8xf32, #tpu.memory_space<vmem>>, vector<512x8xf32>,
    %iota3A = tpu.iota {dimensions = array<i32: 1>} : vector<1x16xi32>
    %shift_right_arithmetic3A = arith.constant 3 : i32
    %shift_right_arithmetic3A_13 = vector.broadcast %shift_right_arithmetic3A : i32 to vector<1x16xi32>
    %shift_right_arithmetic3A_14 = arith.shrsi %iota3A, %shift_right_arithmetic3A_13 : vector<1x16xi32>
    %and3A = arith.constant 1 : i32
    %and3A_15 = vector.broadcast %and3A : i32 to vector<1x16xi32>
    %and3A_16 = arith.andi %shift_right_arithmetic3A_14, %and3A_15 : vector<1x16xi32>
    %convert_element_type3A = arith.sitofp %and3A_16 : vector<1x16xi32> to vector<1x16xf32>
    %shift_right_arithmetic3A_17 = arith.constant 2 : i32
    %shift_right_arithmetic3A_18 = vector.broadcast %shift_right_arithmetic3A_17 : i32 to vector<1x16xi32>
    %shift_right_arithmetic3A_19 = arith.shrsi %iota3A, %shift_right_arithmetic3A_18 : vector<1x16xi32>
    %and3A_20 = arith.constant 1 : i32
    %and3A_21 = vector.broadcast %and3A_20 : i32 to vector<1x16xi32>
    %and3A_22 = arith.andi %shift_right_arithmetic3A_19, %and3A_21 : vector<1x16xi32>
    %convert_element_type3A_23 = arith.sitofp %and3A_22 : vector<1x16xi32> to vector<1x16xf32>
    %shift_right_arithmetic3A_24 = arith.constant 1 : i32
    %shift_right_arithmetic3A_25 = vector.broadcast %shift_right_arithmetic3A_24 : i32 to vector<1x16xi32>
    %shift_right_arithmetic3A_26 = arith.shrsi %iota3A, %shift_right_arithmetic3A_25 : vector<1x16xi32>
    %and3A_27 = arith.constant 1 : i32
    %and3A_28 = vector.broadcast %and3A_27 : i32 to vector<1x16xi32>
    %and3A_29 = arith.andi %shift_right_arithmetic3A_26, %and3A_28 : vector<1x16xi32>
    %convert_element_type3A_30 = arith.sitofp %and3A_29 : vector<1x16xi32> to vector<1x16xf32>
    %and3A_31 = arith.constant 1 : i32
    %and3A_32 = vector.broadcast %and3A_31 : i32 to vector<1x16xi32>
    %and3A_33 = arith.andi %iota3A, %and3A_32 : vector<1x16xi32>
    %convert_element_type3A_34 = arith.sitofp %and3A_33 : vector<1x16xi32> to vector<1x16xf32>
    %slice3A = vector.extract_strided_slice %add3A_9 {offsets = [0, 0], sizes = [512, 1], strides = [1, 1]} : vector<512x5xf32> to vector<512x1xf32>
    %slice3A_35 = vector.extract_strided_slice %add3A_9 {offsets = [0, 1], sizes = [512, 1], strides = [1, 1]} : vector<512x5xf32> to vector<512x1xf32>
    %mul3A = vector.broadcast %slice3A_35 : vector<512x1xf32> to vector<512x16xf32>
    %mul3A_36 = vector.broadcast %convert_element_type3A : vector<1x16xf32> to vector<512x16xf32>
    %mul3A_37 = arith.mulf %mul3A, %mul3A_36 : vector<512x16xf32>
    %add3A_38 = vector.broadcast %slice3A : vector<512x1xf32> to vector<512x16xf32>
    %add3A_39 = arith.addf %add3A_38, %mul3A_37 : vector<512x16xf32>
    %slice3A_40 = vector.extract_strided_slice %add3A_9 {offsets = [0, 2], sizes = [512, 1], strides = [1, 1]} : vector<512x5xf32> to vector<512x1xf32>
    %mul3A_41 = vector.broadcast %slice3A_40 : vector<512x1xf32> to vector<512x16xf32>
    %mul3A_42 = vector.broadcast %convert_element_type3A_23 : vector<1x16xf32> to vector<512x16xf32>
    %mul3A_43 = arith.mulf %mul3A_41, %mul3A_42 : vector<512x16xf32>
    %add3A_44 = arith.addf %add3A_39, %mul3A_43 : vector<512x16xf32>
    %slice3A_45 = vector.extract_strided_slice %add3A_9 {offsets = [0, 3], sizes = [512, 1], strides = [1, 1]} : vector<512x5xf32> to vector<512x1xf32>
    %mul3A_46 = vector.broadcast %slice3A_45 : vector<512x1xf32> to vector<512x16xf32>
    %mul3A_47 = vector.broadcast %convert_element_type3A_30 : vector<1x16xf32> to vector<512x16xf32>
    %mul3A_48 = arith.mulf %mul3A_46, %mul3A_47 : vector<512x16xf32>
    %add3A_49 = arith.addf %add3A_44, %mul3A_48 : vector<512x16xf32>
    %slice3A_50 = vector.extract_strided_slice %add3A_9 {offsets = [0, 4], sizes = [512, 1], strides = [1, 1]} : vector<512x5xf32> to vector<512x1xf32>
    %mul3A_51 = vector.broadcast %slice3A_50 : vector<512x1xf32> to vector<512x16xf32>
    %mul3A_52 = vector.broadcast %convert_element_type3A_34 : vector<1x16xf32> to vector<512x16xf32>
    %mul3A_53 = arith.mulf %mul3A_51, %mul3A_52 : vector<512x16xf32>
    %add3A_54 = arith.addf %add3A_49, %mul3A_53 : vector<512x16xf32>
    %logistic3A = arith.negf %add3A_54 : vector<512x16xf32>
    %logistic3A_55 = math.exp %logistic3A : vector<512x16xf32>
    %logistic3A_56 = arith.constant 1.000000e+00 : f32
    %logistic3A_57 = vector.broadcast %logistic3A_56 : f32 to vector<512x16xf32>
    %logistic3A_58 = arith.addf %logistic3A_57, %logistic3A_55 : vector<512x16xf32>
    %logistic3A_59 = arith.divf %logistic3A_57, %logistic3A_58 : vector<512x16xf32>
    %get3A_60 = arith.constant 0 : index
    %get3A_61 = arith.constant 0 : index
    %get3A_62 = vector.load %arg4[%get3A_60, %get3A_61] : memref<512x16xf32, #tpu.memory_space<vmem>>, vector<512x16xf32>
    %lt3A = arith.cmpf olt, %get3A_62, %logistic3A_59 : vector<512x16xf32>
    %convert_element_type3A_63 = arith.extui %lt3A : vector<512x16xi1> to vector<512x16xi32>
    %shift_left3A = vector.broadcast %iota3A : vector<1x16xi32> to vector<512x16xi32>
    %shift_left3A_64 = arith.shli %convert_element_type3A_63, %shift_left3A : vector<512x16xi32>
    %reduce_sum3A = arith.constant dense<0> : vector<512xi32>
    %reduce_sum3A_65 = vector.multi_reduction <add>, %shift_left3A_64, %reduce_sum3A [1] : vector<512x16xi32> to vector<512xi32>
    %broadcast_in_dim3A_66 = vector.shape_cast %reduce_sum3A_65 : vector<512xi32> to vector<512x1xi32>
    %swap3A_67 = arith.constant 0 : index
    %swap3A_68 = arith.constant 0 : index
    %swap3A_69 = vector.load %arg6[%swap3A_67, %swap3A_68] : memref<512x1xi32, #tpu.memory_space<vmem>>, vector<512x1xi32>
    tpu.vector_store %arg6[%swap3A_67, %swap3A_68], %broadcast_in_dim3A_66 {strides = array<i32>} : memref<512x1xi32, #tpu.memory_space<vmem>>, vector<512x1xi32>,
    return
  }
  func.func @transform_0(%arg0: i32) -> (i32, i32) {
    %c0_i32 = arith.constant 0 : i32
    %c0_i32_0 = arith.constant 0 : i32
    return %arg0, %c0_i32 : i32, i32
  }
  func.func @transform_1(%arg0: i32) -> (i32, i32) {
    %c0_i32 = arith.constant 0 : i32
    %c0_i32_0 = arith.constant 0 : i32
    %c0_i32_1 = arith.constant 0 : i32
    return %c0_i32, %c0_i32_0 : i32, i32
  }
  func.func @transform_2(%arg0: i32) -> (i32, i32) {
    %c0_i32 = arith.constant 0 : i32
    %c0_i32_0 = arith.constant 0 : i32
    %c0_i32_1 = arith.constant 0 : i32
    return %c0_i32, %c0_i32_0 : i32, i32
  }
  func.func @transform_3(%arg0: i32) -> (i32, i32) {
    %c0_i32 = arith.constant 0 : i32
    %c0_i32_0 = arith.constant 0 : i32
    return %arg0, %c0_i32 : i32, i32
  }
  func.func @transform_4(%arg0: i32) -> (i32, i32) {
    %c0_i32 = arith.constant 0 : i32
    %c0_i32_0 = arith.constant 0 : i32
    return %arg0, %c0_i32 : i32, i32
  }
  func.func @transform_5(%arg0: i32) -> (i32, i32) {
    %c0_i32 = arith.constant 0 : i32
    %c0_i32_0 = arith.constant 0 : i32
    return %arg0, %c0_i32 : i32, i32
  }
}

module attributes {stable_mosaic.version = 14 : i64} {
  func.func @_elem_body(%arg0: memref<64x128xf32, #tpu.memory_space<vmem>>, %arg1: memref<64x128xf32, #tpu.memory_space<vmem>>, %arg2: memref<64x128xf32, #tpu.memory_space<vmem>>) attributes {dimension_semantics = [], scalar_prefetch = 0 : i64, scratch_operands = 0 : i64, tpu.core_type = #tpu.core_type<tc>} {
    %get3A = arith.constant 0 : index
    %get3A_0 = arith.constant 0 : index
    %get3A_1 = vector.load %arg0[%get3A, %get3A_0] : memref<64x128xf32, #tpu.memory_space<vmem>>, vector<64x128xf32>
    %logistic3A = arith.negf %get3A_1 : vector<64x128xf32>
    %logistic3A_2 = math.exp %logistic3A : vector<64x128xf32>
    %logistic3A_3 = arith.constant 1.000000e+00 : f32
    %logistic3A_4 = vector.broadcast %logistic3A_3 : f32 to vector<64x128xf32>
    %logistic3A_5 = arith.addf %logistic3A_4, %logistic3A_2 : vector<64x128xf32>
    %logistic3A_6 = arith.divf %logistic3A_4, %logistic3A_5 : vector<64x128xf32>
    %swap3A = arith.constant 0 : index
    %swap3A_7 = arith.constant 0 : index
    %swap3A_8 = vector.load %arg2[%swap3A, %swap3A_7] : memref<64x128xf32, #tpu.memory_space<vmem>>, vector<64x128xf32>
    tpu.vector_store %arg2[%swap3A, %swap3A_7], %logistic3A_6 {strides = array<i32>} : memref<64x128xf32, #tpu.memory_space<vmem>>, vector<64x128xf32>,
    %min3A = arith.constant 0.000000e+00 : f32
    %min3A_9 = vector.broadcast %min3A : f32 to vector<64x128xf32>
    %min3A_10 = arith.minimumf %get3A_1, %min3A_9 : vector<64x128xf32>
    %abs3A = math.absf %get3A_1 : vector<64x128xf32>
    %neg3A = arith.constant 0.000000e+00 : f32
    %neg3A_11 = vector.broadcast %neg3A : f32 to vector<64x128xf32>
    %neg3A_12 = arith.subf %neg3A_11, %abs3A : vector<64x128xf32>
    %exp3A = math.exp %neg3A_12 : vector<64x128xf32>
    %log1p3A = math.log1p %exp3A : vector<64x128xf32>
    %sub3A = arith.subf %min3A_10, %log1p3A : vector<64x128xf32>
    %swap3A_13 = arith.constant 0 : index
    %swap3A_14 = arith.constant 0 : index
    %swap3A_15 = vector.load %arg1[%swap3A_13, %swap3A_14] : memref<64x128xf32, #tpu.memory_space<vmem>>, vector<64x128xf32>
    tpu.vector_store %arg1[%swap3A_13, %swap3A_14], %sub3A {strides = array<i32>} : memref<64x128xf32, #tpu.memory_space<vmem>>, vector<64x128xf32>,
    return
  }
}

</mosaic_0001>

<sc_bundles>
// kernel: kernel.5.cloned.1.call-start
scs
__scs_entry_jumppad:
0x0: {  	(pc) =	sbr.rel $0x88, $3  }
0x1: {  	(tag) =	ssettag $0x0;
	lr =	simm.s32 $0x1  }
0x2: {  	[smem:$0x3F9E] =	sst lr;
	_ =	strace $0xD0000000  }
0x3: {  	_ = 	snop  }
0x4: {  	_ = 	snop  }
0x5: {  	_ = 	snop  }
0x6: {  	_ = 	snop  }
0x7: {  	_ = 	snop  }
__scs_overlays_trampoline_lowered:
0x8: {  	[smem:$0x3FAD] =	sst s0  }
0x9: {  	[smem:$0x3FAE] =	sst s1  }
0xa: {  	[smem:$0x3FAF] =	sst s2  }
0xb: {  	[smem:$0x3FB0] =	sst s3  }
0xc: {  	[smem:$0x3FB1] =	sst s4  }
0xd: {  	[smem:$0x3FB2] =	sst s5  }
0xe: {  	[smem:$0x3FB3] =	sst s6  }
0xf: {  	[smem:$0x3FB4] =	sst s7  }
0x10: {  	[smem:$0x3FB5] =	sst s8  }
0x11: {  	[smem:$0x3FB6] =	sst s9;
	s0 =	simm.s32 @!p0 $0x0  }
0x12: {  	s1 =	sld [smem:$0x3F9C];
	s0 =	simm.s32 @p0 $0x1  }
0x13: {  	[smem:$0x3FB7] =	sst s0;
	s0 =	simm.s32 @!p1 $0x0  }
0x14: {  	s2 =	sld [smem:$0x3F9B];
	s0 =	simm.s32 @p1 $0x1  }
0x15: {  	[smem:$0x3FB8] =	sst s0;
	s0 =	simm.s32 @!p2 $0x0  }
0x16: {  	s3 =	sld [smem:$0x3FDB];
	s0 =	simm.s32 @p2 $0x1  }
0x17: {  	s4 =	simm.s32 $0x1BF5;
	[smem:$0x3FBA] =	sst s0  }
0x18: {  	s0 =	sld [smem:$0x3F9D];
	_ =	swait.ge [sflag:s4], $0x0  }
0x19: {  	s7 =	sld [smem:$0x3F9E]  }
0x1a: {  	s8 =	sadd.s32 $0xFFFFE003, lr  }
0x1b: {  	s9 =	sadd.s32 $0xFFFFFEF7, lr;
	s5 =	simm.s32 $0xFFFFFFFF;
	p2 =	slt.u32 s8, $0xFFFFF086  }
0x1c: {  	p1 =	slt.u32 s9, $0xF7A;
	s5 =	simm.s32 @!p2 $0x0  }
0x1d: {  	s5 =	simm.s32 @p1 $0x1;
	p0 =	seq.s32 s7, s2  }
0x1e: {  	s7 =	smul.u32 @!p0 $0xF7A, s2;
	p2 =	seq.s32 @!p0 s5, $0x0  }
0x1f: {  	s9 =	smul.u32 $0xF7A, s1;
	s8 =	simm.s32 @!p0 $0x1BF5;
	p2 =	por !p2, p0  }
0x20: {  	[sflag:s8] =	ssyncset.s32 @!p0 $0xFFFFF086;
	s6 =	sadd.s32 @!p0 s3, s7;
	s7 =	simm.s32 @!p0 $0x108  }
0x21: {  	s3 =	sadd.s32 s3, s9;
	s6 =	sadd.s32 @!p0 $0x88, s6;
	s7 =	simm.s32 @p2 $0x1082  }
0x22: {  	[simem:s7], [sflag:s8] =	dma.local @!p0 [hbm:s6], $0xF7A  }
0x23: {  	s9 =	sor.u32 $0xD0000000, s2;
	s6 =	simm.s32 $0x108;
	_ =	swait.ge @!p0 [sflag:s8], $0x0  }
0x24: {  	s3 =	sadd.s32 $0x88, s3;
	s6 =	simm.s32 @!p1 $0x1082;
	[sflag:s4] =	ssyncset.s32 $0xFFFFF086  }
0x25: {  	[simem:s6], [sflag:s4] =	dma.local [hbm:s3], $0xF7A  }
0x26: {  	[smem:$0x3F9E] =	sst s1;
	(tag) =	ssettag s2;
	_ =	strace s9  }
0x27: {  	s1 =	sld [smem:$0x3FAE]  }
0x28: {  	s2 =	sld [smem:$0x3FAF]  }
0x29: {  	s4 =	sld [smem:$0x3FB1]  }
0x2a: {  	p0 =	seq.s32 s5, $0x0;
	s5 =	sld [smem:$0x3FB2]  }
0x2b: {  	s6 =	sld [smem:$0x3FB3]  }
0x2c: {  	s7 =	sld [smem:$0x3FB4]  }
0x2d: {  	s3 =	simm.s32 $0x108;
	s8 =	sld [smem:$0x3FB5]  }
0x2e: {  	s3 =	simm.s32 @!p0 $0x1082;
	s9 =	sld [smem:$0x3FB6]  }
0x2f: {  	lr =	sadd.s32 s0, s3;
	s0 =	sld [smem:$0x3FAD]  }
0x30: {  	s3 =	sld [smem:$0x3FB0]  }
0x31: {  	[smem:$0x3FB9] =	sst s10  }
0x32: {  	s10 =	sld [smem:$0x3FB7];
	_ =	sdelay $0x3  }
0x33: {  	p0 =	seq.s32 s10, $0x1;
	s10 =	sld [smem:$0x3FB9];
	_ =	sdelay $0x3  }
0x34: {  	[smem:$0x3FB9] =	sst s10  }
0x35: {  	s10 =	sld [smem:$0x3FB8];
	_ =	sdelay $0x3  }
0x36: {  	p1 =	seq.s32 s10, $0x1;
	s10 =	sld [smem:$0x3FB9];
	_ =	sdelay $0x3  }
0x37: {  	[smem:$0x3FB9] =	sst s10  }
0x38: {  	s10 =	sld [smem:$0x3FBA]  }
0x39: {  	_ = 	snop;
	(pc) =	sbr.ind lr, $3  }
0x3a: {  	_ = 	snop  }
0x3b: {  	_ = 	snop  }
0x3c: {  	p2 =	seq.s32 s10, $0x1;
	s10 =	sld [smem:$0x3FB9]  }
0x3d: {  	_ =	shalt  }
0x3e: {  	_ =	shalt  }
0x3f: {  	_ =	shalt  }
0x40: {  	_ =	shalt  }
0x41: {  	_ =	shalt  }
0x42: {  	_ =	shalt  }
0x43: {  	_ =	shalt  }
0x44: {  	_ =	shalt  }
0x45: {  	_ =	shalt  }
0x46: {  	_ =	shalt  }
0x47: {  	_ =	shalt  }
0x48: {  	_ =	shalt  }
0x49: {  	_ =	shalt  }
0x4a: {  	_ =	shalt  }
0x4b: {  	_ =	shalt  }
0x4c: {  	_ =	shalt  }
0x4d: {  	_ =	shalt  }
0x4e: {  	_ =	shalt  }
0x4f: {  	_ =	shalt  }
0x50: {  	_ =	shalt  }
0x51: {  	_ =	shalt  }
0x52: {  	_ =	shalt  }
0x53: {  	_ =	shalt  }
0x54: {  	_ =	shalt  }
0x55: {  	_ =	shalt  }
0x56: {  	_ =	shalt  }
0x57: {  	_ =	shalt  }
0x58: {  	_ =	shalt  }
0x59: {  	_ =	shalt  }
0x5a: {  	_ =	shalt  }
0x5b: {  	_ =	shalt  }
0x5c: {  	_ =	shalt  }
0x5d: {  	_ =	shalt  }
0x5e: {  	_ =	shalt  }
0x5f: {  	_ =	shalt  }
0x60: {  	_ =	shalt  }
0x61: {  	_ =	shalt  }
0x62: {  	_ =	shalt  }
0x63: {  	_ =	shalt  }
0x64: {  	_ =	shalt  }
0x65: {  	_ =	shalt  }
0x66: {  	_ =	shalt  }
0x67: {  	_ =	shalt  }
0x68: {  	_ =	shalt  }
0x69: {  	_ =	shalt  }
0x6a: {  	_ =	shalt  }
0x6b: {  	_ =	shalt  }
0x6c: {  	_ =	shalt  }
0x6d: {  	_ =	shalt  }
0x6e: {  	_ =	shalt  }
0x6f: {  	_ =	shalt  }
0x70: {  	_ =	shalt  }
0x71: {  	_ =	shalt  }
0x72: {  	_ =	shalt  }
0x73: {  	_ =	shalt  }
0x74: {  	_ =	shalt  }
0x75: {  	_ =	shalt  }
0x76: {  	_ =	shalt  }
0x77: {  	_ =	shalt  }
0x78: {  	_ =	shalt  }
0x79: {  	_ =	shalt  }
0x7a: {  	_ =	shalt  }
0x7b: {  	_ =	shalt  }
0x7c: {  	_ =	shalt  }
0x7d: {  	_ =	shalt  }
0x7e: {  	_ =	shalt  }
0x7f: {  	_ =	shalt  }
0x80: {  	_ =	shalt  }
0x81: {  	_ =	shalt  }
0x82: {  	_ =	shalt  }
0x83: {  	_ =	shalt  }
0x84: {  	_ =	shalt  }
0x85: {  	_ =	shalt  }
0x86: {  	_ =	shalt  }
0x87: {  	_ =	shalt  }
.Lfunc_end0:
.L_simem_size_0:
called_computation_lowered:
.L_overlay_start_0:
0x88: {  	s2 =	sld [smem:$0x3FD9]  }
0x89: {  	s3 =	sld [smem:$0x3FFE];
	_ =	sdelay $0x1  }
0x8a: {  	s1 =	srdreg.scid  }
0x8b: {  	s0 =	sand.u32 $0x1, s1  }
0x8c: {  	s14 =	sshll.u32 s0, $0xA;
	s2 =	sadd.s32 s3, s2  }
0x8d: {  	s2 =	sadd.s32 s2, s14  }
0x8e: {  	[smem:$0x3FC5] =	sst s2  }
0x8f: {  	_ = 	snop  }
0x90: {  	s2 =	sld [smem:$0x3FD0];
	_ =	sdelay $0x2  }
0x91: {  	s15 =	simm.s32 $0xA;
	s4 =	simm.s32 $0x10  }
0x92: {  	[smem:s4], [sflag:s15] =	dma.local [hbm:s2], $0x1  }
0x93: {  	_ =	swait.eq [sflag:s15], $0x1  }
0x94: {  	s16 =	sld [smem:$0x10];
	[sflag:s15] =	ssyncset.done $0x0  }
0x95: {  	s17 =	sld [smem:$0x11];
	[sflag:s15] =	ssyncadd.s32 $0xFFFFFFFF  }
0x96: {  	s18 =	sld [smem:$0x12];
	(tm) =	ssettm $0x1  }
0x97: {  	s5 =	sld [smem:$0x3FFB];
	_ =	sdelay $0x3  }
0x98: {  	_ =	strace s5  }
0x99: {  	s5 =	sld [smem:$0x3FFC];
	_ =	sdelay $0x3  }
0x9a: {  	_ =	strace s5  }
0x9b: {  	s5 =	sld [smem:$0x3FFD];
	_ =	sdelay $0x3  }
0x9c: {  	_ =	strace s5  }
0x9d: {  	_ =	strace $0x8FFFFFFF  }
0x9e: {  	s19 =	sld [smem:$0x3FDB];
	_ =	sdelay $0x1  }
0x9f: {  	s6 =	simm.s32 $_scs_section_size  }
0xa0: {  	s7 =	simm.s32 $_size__tile_overlayer_lowered;
	s8 =	simm.s32 $_tile_overlayer_lowered  }
0xa1: {  	s22 =	simm.s32 $0x1BFF;
	s21 =	sshll.u32 s8, $0x1;
	s5 =	sadd.s32 s6, s19  }
0xa2: {  	s9 =	simm.s32 $0x0;
	s20 =	sshll.u32 s7, $0x1;
	s7 =	sadd.s32 s21, s5  }
0xa3: {  	[timem:s9], [sflag:s22] =	dma.local [hbm:s7], s20  }
0xa4: {  	_ =	swait.ge [sflag:s22], s20  }
0xa5: {  	s6 =	ssub.s32 $0x0, s20;
	[sflag:s22] =	ssyncset.done $0x0  }
0xa6: {  	[sflag:s22] =	ssyncadd.s32 s6;
	_ =	sdelay $0x1  }
0xa7: {  	s23 =	simm.s32 $0x1B8B  }
0xa8: {  	_ =	swait.ge [sflag:s23], $0x1  }
0xa9: {  	[sflag:s23] =	ssyncset.done $0x0  }
0xaa: {  	s25 =	simm.s32 $0x1B8E;
	s24 =	sld [smem:$0x3FFE];
	[sflag:s23] =	ssyncadd.s32 $0xFFFFFFFF  }
0xab: {  	s26 =	simm.s32 $execute0_lowered;
	[smem:$0x3FD2] =	sst s25  }
0xac: {  	s7 =	sshll.u32 s26, $0x1;
	_ =	strace $0x80000046;
	[dreg:$0x1] =	wrdreg $0xFFFFFFFF  }
0xad: {  	s28 =	simm.s32 $_size_execute0_lowered;
	s5 =	sadd.s32 s5, s7;
	[dreg:$0x0] =	wrdreg $0x0  }
0xae: {  	s7 =	sshll.u32 s28, $0x1;
	[dreg:$0x2] =	wrdreg s5  }
0xaf: {  	[dreg:$0x3] =	wrdreg s7  }
0xb0: {  	[dreg:$0x4] =	wrdreg $0xC0  }
0xb1: {  	_ =	task [dreg:s9], $0x5FFFF  }
0xb2: {  	[dreg:$0x1] =	wrdreg $0xFFFFFFFF  }
0xb3: {  	[dreg:$0x0] =	wrdreg $0x60  }
0xb4: {  	[dreg:$0x2] =	wrdreg s24  }
0xb5: {  	[dreg:$0x3] =	wrdreg s17  }
0xb6: {  	[dreg:$0x4] =	wrdreg s16  }
0xb7: {  	[dreg:$0x5] =	wrdreg s18  }
0xb8: {  	[dreg:$0x6] =	wrdreg $0x9  }
0xb9: {  	_ =	task.clear_ibuf [dreg:s9], $0x7FFFF;
	_ =	strace $0x90000046  }
0xba: {  	s29 =	simm.s32 $0x9;
	_ =	strace $0x80000048  }
0xbb: {  	_ =	swait.ge [sflag:s29], $0x1  }
0xbc: {  	[sflag:s29] =	ssyncadd.s32 $0xFFFFFFFF  }
0xbd: {  	_ =	strace $0x90000048  }
0xbe: {  	_ =	sfence  }
0xbf: {  	s30 =	sld [smem:$0x0];
	_ =	sdelay $0x2  }
0xc0: {  	s31 =	sshll.u32 s1, $0xD;
	s1 =	sshrl.u32 s1, $0x2  }
0xc1: {  	s3 =	sand.u32 $0x4000, s31;
	s1 =	sadd.s32 s1, s30  }
0xc2: {  	s0 =	sor.u32 s3, s0;
	s1 =	sshll.u32 s1, $0x11  }
0xc3: {  	s0 =	sor.u32 s1, s0  }
0xc4: {  	s0 =	sadd.s32 $0x8F2B, s0  }
0xc5: {  	[sflag:s0] =	ssyncadd.remote.s32 $0x1  }
0xc6: {  	_ =	sfence.sel $0xFFFF  }
0xc7: {  	[dreg:$0x0] =	wrdreg $0xFFFFFFFF;
	(pc) =	sbr.abs _section_cstart, $3  }
0xc8: {  	[dreg:$0x1] =	wrdreg $0xFFFFFFFF  }
0xc9: {  	_ =	task.clear_ibuf [dreg:s9], $0x2FFFF;
	_ =	strace $0x9FFFFFFF  }
0xca: {  	(tm) =	ssettm $0x7FFFFFFF  }
0xcb: {  	_ =	shalt  }
tec
execute0_lowered:
.L_overlay_start_1:
0x0: {  	(tag) =	ssettag $0x1  }
0x1: {  	s4 =	rddreg [dreg:$0x0]  }
0x2: {  	s5 =	rddreg [dreg:$0x1]  }
0x3: {  	s6 =	rddreg [dreg:$0x2]  }
0x4: {  	s7 =	rddreg [dreg:$0x3]  }
0x5: {  	s2 =	srdreg.scid;
	s1 =	stileid.u32  }
0x6: {  	s0 =	rddreg [dreg:$0x4];
	s14 =	simm.s32 $0x0;
	s8 =	sand.u32 $0x1, s2  }
0x7: {  	s3 =	sshll.u32 s1, $0x8;
	s2 =	sand.u32 $0x7, s1;
	s9 =	sshll.u32 s8, $0xC  }
0x8: {  	s10 =	sand.u32 $0x800, s3;
	s3 =	simm.s32 $0x0;
	s29 =	sshll.u32 s2, $0x8  }
0x9: {  	s8 =	ssub.s32 $0x2, s8;
	s9 =	sor.u32 s9, s10;
	[smem:$0x7FF] =	sst s3  }
0xa: {  	vm0 =	vmmov $0x1;
	vm1 =	vmmov $0x3;
	s13 =	sshrl.u32 s8, $0x1;
	s10 =	simm.s32 $0x1;
	s11 =	sor.u32 s29, s9  }
0xb: {  	vm2 =	vmmov $0x7;
	vm3 =	vmmov $0xf;
	vm4 =	vmmov $0x1f;
	_ =	strace $0x80000047;
	s8 =	ssub.s32 s8, s13;
	s30 =	sshrl.u32 s9, $0x3  }
0xc: {  	vm5 =	vmmov $0x3f;
	vm6 =	vmmov $0x7f;
	vm7 =	vmmov $0xff;
	s9 =	ssub.s32 $0x0, s29;
	s13 =	simm.s32 $0x8C00;
	s12 =	sshll.u32 s11, $0x4  }
0xd: {  	vm8 =	vmmov $0x1ff;
	vm9 =	vmmov $0x3ff;
	v0 =	vlaneseq.u32;
	s31 =	sshrl.u32 s11, $0x3;
	s8 =	smax.u32 s8, $0x1;
	s11 =	simm.s32 $0x800  }
0xe: {  	vm10 =	vmmov $0x7ff;
	vm11 =	vmmov $0xfff;
	v0 =	vmul.u32 $0x80, v0;
	s12 =	sadd.s32 s12, s4;
	s4 =	sadd.s32 s5, s30;
	s6 =	sadd.s32 s6, s31  }
0xf: {  	vm12 =	vmmov $0x1fff;
	vm13 =	vmmov $0x3fff;
	vm14 =	vmmov $0x7fff;
	s7 =	sadd.s32 s7, s31;
	s5 =	sadd.s32 $0x1000, s12;
	s12 =	simm.s32 $0x8B00  }
.LBB2_1:
0x10: {  	[tilespmem:s3], [sflag:$0x1] =	stream.linear.gather [hbm4b:s4+s3], $0x800, $0x38;
	[tilespmem:$0x8D00] =	vst v63  }
0x11: {  	_ =	swait.ge [sflag:s10], $0x800  }
0x12: {  	[sflag:s10] =	ssyncset.done $0x0  }
0x13: {  	[sflag:s10] =	ssyncadd.s32 $0xFFFFF800  }
0x14: {  	[tilespmem:s11], [sflag:$0x1] =	stream.linear.gather [hbm4b:s5+s3], $0x8000, $0x38;
	[tilespmem:$0x8D00] =	vst v63  }
0x15: {  	_ =	swait.ge [sflag:s10], $0x8000  }
0x16: {  	[sflag:s10] =	ssyncset.done $0x0  }
0x17: {  	[sflag:s10] =	ssyncadd.s32 $0xFFFF8000  }
0x18: {  	v1 =	vld [tilespmem:s3+$0x0];
	_ =	sdelay $0x4  }
0x19: {  	v2 =	vbroadcast v1, $0x0  }
0x1a: {  	v3 =	vimm.s32 $0x0  }
0x1b: {  	v4 =	vshll.u32 v3, $0x1;
	v2 =	vshrl.u32 v2, v3  }
0x1c: {  	v4 =	vand.u32 $0xE, v4;
	v5 =	vbroadcast v1, $0x1;
	v2 =	vand.u32 $0x1, v2  }
0x1d: {  	v4 =	vor.u32 v4, v2  }
0x1e: {  	v5 =	vshrl.u32 v5, v4;
	v6 =	vshll.u32 v4, $0x1  }
0x1f: {  	v7 =	vbroadcast v1, $0x2;
	v5 =	vand.u32 $0x1, v5;
	v6 =	vand.u32 $0xE, v6  }
0x20: {  	v6 =	vor.u32 v5, v6  }
0x21: {  	v7 =	vshrl.u32 v7, v6;
	v8 =	vshll.u32 v6, $0x1  }
0x22: {  	v9 =	vbroadcast v1, $0x3;
	v7 =	vand.u32 $0x1, v7;
	v8 =	vand.u32 $0xE, v8  }
0x23: {  	v8 =	vor.u32 v7, v8  }
0x24: {  	v9 =	vshrl.u32 v9, v8;
	v10 =	vshll.u32 v8, $0x1  }
0x25: {  	v11 =	vbroadcast v1, $0x4;
	v9 =	vand.u32 $0x1, v9;
	v10 =	vand.u32 $0xE, v10  }
0x26: {  	v10 =	vor.u32 v9, v10  }
0x27: {  	v11 =	vshrl.u32 v11, v10;
	v12 =	vshll.u32 v10, $0x1  }
0x28: {  	v13 =	vbroadcast v1, $0x5;
	v11 =	vand.u32 $0x1, v11;
	v12 =	vand.u32 $0xE, v12  }
0x29: {  	v12 =	vor.u32 v11, v12  }
0x2a: {  	v13 =	vshrl.u32 v13, v12;
	v14 =	vshll.u32 v12, $0x1  }
0x2b: {  	v15 =	vbroadcast v1, $0x6;
	v13 =	vand.u32 $0x1, v13;
	v14 =	vand.u32 $0xE, v14  }
0x2c: {  	v37 =	vbroadcast v1, $0x7;
	v35 =	vor.u32 v13, v14  }
0x2d: {  	v3 =	vsel vm0, v3, v4;
	v36 =	vshrl.u32 v15, v35;
	v14 =	vshll.u32 v35, $0x1  }
0x2e: {  	v3 =	vsel vm1, v3, v6;
	v6 =	vand.u32 $0x1, v36;
	v14 =	vand.u32 $0xE, v14  }
0x2f: {  	v40 =	vbroadcast v1, $0x8;
	v38 =	vor.u32 v6, v14  }
0x30: {  	v3 =	vsel vm2, v3, v8;
	v39 =	vshrl.u32 v37, v38;
	v14 =	vshll.u32 v38, $0x1  }
0x31: {  	v3 =	vsel vm3, v3, v10;
	v10 =	vand.u32 $0x1, v39;
	v14 =	vand.u32 $0xE, v14  }
0x32: {  	v44 =	vbroadcast v1, $0x9;
	v46 =	vbroadcast v1, $0xF;
	v41 =	vor.u32 v10, v14  }
0x33: {  	v16 =	vbroadcast v1, $0xA;
	v42 =	vshrl.u32 v40, v41;
	v43 =	vshll.u32 v41, $0x1  }
0x34: {  	v3 =	vsel vm4, v3, v12;
	v4 =	vand.u32 $0x1, v42;
	v12 =	vand.u32 $0xE, v43  }
0x35: {  	v51 =	vbroadcast v1, $0xB;
	v54 =	vbroadcast v1, $0xC;
	v45 =	vor.u32 v4, v12  }
0x36: {  	v2 =	vsel vm0, v2, v5;
	v14 =	vshrl.u32 v44, v45;
	v47 =	vshll.u32 v45, $0x1  }
0x37: {  	v3 =	vsel vm5, v3, v35;
	v48 =	vand.u32 $0x1, v14;
	v49 =	vand.u32 $0xE, v47  }
0x38: {  	v2 =	vsel vm1, v2, v7;
	v3 =	vsel vm6, v3, v38;
	v50 =	vor.u32 v48, v49  }
0x39: {  	v3 =	vsel vm7, v3, v41;
	v52 =	vshrl.u32 v16, v50;
	v8 =	vshll.u32 v50, $0x1  }
0x3a: {  	v3 =	vsel vm8, v3, v45;
	v53 =	vand.u32 $0x1, v52;
	v8 =	vand.u32 $0xE, v8  }
0x3b: {  	v2 =	vsel vm2, v2, v9;
	v3 =	vsel vm9, v3, v50;
	v8 =	vor.u32 v53, v8  }
0x3c: {  	v14 =	vshrl.u32 v51, v8;
	v3 =	vsel vm10, v3, v8;
	v8 =	vshll.u32 v8, $0x1  }
0x3d: {  	v2 =	vsel vm3, v2, v11;
	v55 =	vand.u32 $0x1, v14;
	v8 =	vand.u32 $0xE, v8  }
0x3e: {  	v56 =	vbroadcast v1, $0xD;
	v2 =	vsel vm4, v2, v13;
	v8 =	vor.u32 v55, v8  }
0x3f: {  	v2 =	vsel vm5, v2, v6;
	v57 =	vshrl.u32 v54, v8;
	v58 =	vshll.u32 v8, $0x1  }
0x40: {  	v2 =	vsel vm6, v2, v10;
	v6 =	vand.u32 $0x1, v57;
	v9 =	vand.u32 $0xE, v58  }
0x41: {  	v1 =	vbroadcast v1, $0xE;
	v2 =	vsel vm7, v2, v4;
	v59 =	vor.u32 v6, v9  }
0x42: {  	v2 =	vsel vm8, v2, v48;
	v60 =	vshrl.u32 v56, v59;
	v9 =	vshll.u32 v59, $0x1  }
0x43: {  	v2 =	vsel vm9, v2, v53;
	v5 =	vand.u32 $0x1, v60;
	v61 =	vand.u32 $0xE, v9  }
0x44: {  	v2 =	vsel vm10, v2, v55;
	v3 =	vsel vm11, v3, v8;
	v7 =	vor.u32 v5, v61  }
0x45: {  	v2 =	vsel vm11, v2, v6;
	v1 =	vshrl.u32 v1, v7;
	v62 =	vshll.u32 v7, $0x1  }
0x46: {  	v3 =	vsel vm12, v3, v59;
	v1 =	vand.u32 $0x1, v1;
	v4 =	vand.u32 $0xE, v62  }
0x47: {  	v2 =	vsel vm12, v2, v5;
	v3 =	vsel vm13, v3, v7;
	v4 =	vor.u32 v1, v4  }
0x48: {  	p0 =	seq.s32 s2, $0x0;
	s18 =	smov.u32 s9;
	v63 =	vshrl.u32 v46, v4;
	v3 =	vsel vm14, v3, v4;
	v4 =	vshll.u32 v4, $0x1  }
0x49: {  	s18 =	simm.s32 @!p0 $0x100;
	v1 =	vsel vm13, v2, v1;
	v2 =	vand.u32 $0x1, v63;
	v4 =	vand.u32 $0xE, v4  }
0x4a: {  	s15 =	simm.s32 $0x1;
	s16 =	smov.u32 s9;
	s17 =	simm.s32 $0x0;
	[tilespmem:s18+$0x8800] =	vst v3;
	v1 =	vsel vm14, v1, v2;
	v2 =	vor.u32 v2, v4  }
.LBB2_2:
0x4b: {  	p0 =	sne.s32 s15, $0x7F;
	[tilespmem:s18+$0x8980] =	vst v1;
	s16 =	sadd.s32 $0x10, s16;
	s17 =	sadd.s32 $0x10, s17  }
0x4c: {  	s18 =	smov.u32 s15;
	s15 =	sadd.s32 $0x1, s15;
	v1 =	vld [tilespmem:s17+$0x0];
	_ =	sdelay $0x4  }
0x4d: {  	v3 =	vbroadcast v1, $0x0;
	_ =	sdelay $0x1  }
0x4e: {  	v4 =	vshll.u32 v2, $0x1;
	v3 =	vshrl.u32 v3, v2  }
0x4f: {  	v4 =	vand.u32 $0xE, v4;
	v5 =	vbroadcast v1, $0x1;
	v3 =	vand.u32 $0x1, v3  }
0x50: {  	v4 =	vor.u32 v4, v3  }
0x51: {  	v5 =	vshrl.u32 v5, v4;
	v6 =	vshll.u32 v4, $0x1  }
0x52: {  	v7 =	vbroadcast v1, $0x2;
	v5 =	vand.u32 $0x1, v5;
	v6 =	vand.u32 $0xE, v6  }
0x53: {  	v2 =	vsel vm0, v2, v4;
	v3 =	vsel vm0, v3, v5;
	v4 =	vor.u32 v5, v6  }
0x54: {  	v5 =	vshrl.u32 v7, v4;
	v2 =	vsel vm1, v2, v4;
	v4 =	vshll.u32 v4, $0x1  }
0x55: {  	v6 =	vbroadcast v1, $0x3;
	v5 =	vand.u32 $0x1, v5;
	v4 =	vand.u32 $0xE, v4  }
0x56: {  	v4 =	vor.u32 v5, v4  }
0x57: {  	v6 =	vshrl.u32 v6, v4;
	v2 =	vsel vm2, v2, v4;
	v4 =	vshll.u32 v4, $0x1  }
0x58: {  	v7 =	vbroadcast v1, $0x4;
	v6 =	vand.u32 $0x1, v6;
	v4 =	vand.u32 $0xE, v4  }
0x59: {  	v4 =	vor.u32 v6, v4  }
0x5a: {  	v7 =	vshrl.u32 v7, v4;
	v8 =	vshll.u32 v4, $0x1  }
0x5b: {  	v9 =	vbroadcast v1, $0x5;
	v7 =	vand.u32 $0x1, v7;
	v8 =	vand.u32 $0xE, v8  }
0x5c: {  	v2 =	vsel vm3, v2, v4;
	v4 =	vor.u32 v7, v8  }
0x5d: {  	v8 =	vshrl.u32 v9, v4;
	v2 =	vsel vm4, v2, v4;
	v4 =	vshll.u32 v4, $0x1  }
0x5e: {  	v9 =	vbroadcast v1, $0x6;
	v8 =	vand.u32 $0x1, v8;
	v4 =	vand.u32 $0xE, v4  }
0x5f: {  	v4 =	vor.u32 v8, v4  }
0x60: {  	v9 =	vshrl.u32 v9, v4;
	v2 =	vsel vm5, v2, v4;
	v4 =	vshll.u32 v4, $0x1  }
0x61: {  	v10 =	vbroadcast v1, $0x7;
	v9 =	vand.u32 $0x1, v9;
	v4 =	vand.u32 $0xE, v4  }
0x62: {  	v4 =	vor.u32 v9, v4  }
0x63: {  	v10 =	vshrl.u32 v10, v4;
	v2 =	vsel vm6, v2, v4;
	v4 =	vshll.u32 v4, $0x1  }
0x64: {  	v11 =	vbroadcast v1, $0x8;
	v10 =	vand.u32 $0x1, v10;
	v4 =	vand.u32 $0xE, v4  }
0x65: {  	v4 =	vor.u32 v10, v4  }
0x66: {  	v11 =	vshrl.u32 v11, v4;
	v12 =	vshll.u32 v4, $0x1  }
0x67: {  	v13 =	vbroadcast v1, $0x9;
	v11 =	vand.u32 $0x1, v11;
	v12 =	vand.u32 $0xE, v12  }
0x68: {  	v14 =	vbroadcast v1, $0xF;
	v12 =	vor.u32 v11, v12  }
0x69: {  	v16 =	vbroadcast v1, $0xA;
	v13 =	vshrl.u32 v13, v12;
	v15 =	vshll.u32 v12, $0x1  }
0x6a: {  	v2 =	vsel vm7, v2, v4;
	v4 =	vand.u32 $0x1, v13;
	v13 =	vand.u32 $0xE, v15  }
0x6b: {  	v2 =	vsel vm8, v2, v12;
	v12 =	vor.u32 v4, v13;
	v13 =	vbroadcast v1, $0xB  }
0x6c: {  	v15 =	vshrl.u32 v16, v12;
	v2 =	vsel vm9, v2, v12;
	v12 =	vshll.u32 v12, $0x1  }
0x6d: {  	v3 =	vsel vm1, v3, v5;
	v5 =	vand.u32 $0x1, v15;
	v12 =	vand.u32 $0xE, v12  }
0x6e: {  	v3 =	vsel vm2, v3, v6;
	v6 =	vor.u32 v5, v12;
	v12 =	vbroadcast v1, $0xC  }
0x6f: {  	v13 =	vshrl.u32 v13, v6;
	v2 =	vsel vm10, v2, v6;
	v6 =	vshll.u32 v6, $0x1  }
0x70: {  	v3 =	vsel vm3, v3, v7;
	v7 =	vand.u32 $0x1, v13;
	v6 =	vand.u32 $0xE, v6  }
0x71: {  	v3 =	vsel vm4, v3, v8;
	v8 =	vbroadcast v1, $0xD;
	v6 =	vor.u32 v7, v6  }
0x72: {  	v3 =	vsel vm5, v3, v9;
	v9 =	vshrl.u32 v12, v6;
	v12 =	vshll.u32 v6, $0x1  }
0x73: {  	v3 =	vsel vm6, v3, v10;
	v9 =	vand.u32 $0x1, v9;
	v10 =	vand.u32 $0xE, v12  }
0x74: {  	v3 =	vsel vm7, v3, v11;
	v1 =	vbroadcast v1, $0xE;
	v10 =	vor.u32 v9, v10  }
0x75: {  	v3 =	vsel vm8, v3, v4;
	v4 =	vshrl.u32 v8, v10;
	v8 =	vshll.u32 v10, $0x1  }
0x76: {  	v3 =	vsel vm9, v3, v5;
	v4 =	vand.u32 $0x1, v4;
	v5 =	vand.u32 $0xE, v8  }
0x77: {  	v3 =	vsel vm10, v3, v7;
	v2 =	vsel vm11, v2, v6;
	v5 =	vor.u32 v4, v5  }
0x78: {  	v2 =	vsel vm12, v2, v10;
	v1 =	vshrl.u32 v1, v5;
	v6 =	vshll.u32 v5, $0x1  }
.Ltmp0:
0x79: {  	s18 =	sshrl.u32 s18, $0x4;
	v3 =	vsel vm11, v3, v9;
	v1 =	vand.u32 $0x1, v1;
	v6 =	vand.u32 $0xE, v6;
	(pc) =	sbr.rel @p0 .LBB2_2-.Ltmp0, $4  }
0x7a: {  	p1 =	seq.s32 s18, s2;
	s18 =	smov.u32 s16;
	v3 =	vsel vm12, v3, v4;
	v2 =	vsel vm13, v2, v5;
	v4 =	vor.u32 v1, v6  }
0x7b: {  	s18 =	simm.s32 @!p1 $0x100;
	v5 =	vshrl.u32 v14, v4;
	v2 =	vsel vm14, v2, v4;
	v4 =	vshll.u32 v4, $0x1  }
0x7c: {  	v1 =	vsel vm13, v3, v1;
	v3 =	vand.u32 $0x1, v5;
	v4 =	vand.u32 $0xE, v4;
	[tilespmem:s18+$0x8800] =	vst v2  }
0x7d: {  	v1 =	vsel vm14, v1, v3;
	v2 =	vor.u32 v3, v4  }
0x7e: {  	s15 =	simm.s32 $0x0  }
0x7f: {  	v2 =	vmov s15  }
0x80: {  	v2 =	vshll.u32 v2, $0x7  }
0x81: {  	v2 =	vor.u32 v0, v2  }
0x82: {  	[tilespmem:s18+$0x8980] =	vst v1;
	s29 =	simm.s32 $0x8800;
	v1 =	vor.u32 $0x1, v2  }
0x83: {  	v3 =	vld [tilespmem:s29+$0x0]  }
0x84: {  	v4 =	vor.u32 $0x2, v2;
	_ =	sdelay $0x1  }
0x85: {  	v5 =	vor.u32 $0x3, v2  }
0x86: {  	v1 =	vld.idx.msk [tilespmem:v1+s11+$0x0], $0xffff  }
0x87: {  	v7 =	vshrl.u32 v3, $0x3;
	v6 =	vld.idx.msk [tilespmem:v2+s11+$0x0], $0xffff;
	v2 =	vor.u32 $0x4, v2  }
0x88: {  	v7 =	vand.u32 $0x1, v7;
	v4 =	vld.idx.msk [tilespmem:v4+s11+$0x0], $0xffff  }
0x89: {  	v8 =	vshrl.u32 v3, $0x2;
	v7 =	vcvt.s32.f32 v7  }
0x8a: {  	v8 =	vand.u32 $0x1, v8;
	v5 =	vld.idx.msk [tilespmem:v5+s11+$0x0], $0xffff  }
0x8b: {  	v9 =	vshrl.u32 v3, $0x1;
	v8 =	vcvt.s32.f32 v8;
	v1 =	vmul.f32 v7, v1  }
0x8c: {  	v57 =	vand.u32 $0x1, v9;
	v2 =	vld.idx.msk [tilespmem:v2+s11+$0x0], $0xffff  }
0x8d: {  	v7 =	vcvt.s32.f32 v57;
	v4 =	vmul.f32 v8, v4;
	v1 =	vadd.f32 v1, v6  }
0x8e: {  	s30 =	simm.s32 $0x8980;
	v3 =	vand.u32 $0x1, v3  }
0x8f: {  	v58 =	vld [tilespmem:s30+$0x0];
	v3 =	vcvt.s32.f32 v3;
	v1 =	vadd.f32 v4, v1;
	v4 =	vmul.f32 v7, v5;
	_ =	sdelay $0x1  }
0x90: {  	v2 =	vmul.f32 v3, v2;
	v1 =	vadd.f32 v4, v1  }
0x91: {  	s31 =	simm.s32 $0x10  }
0x92: {  	v3 =	vmov s31;
	v1 =	vadd.f32 v2, v1  }
0x93: {  	s15 =	simm.s32 $0x8B00;
	v2 =	vshll.u32 v3, $0x7;
	v3 =	vcvt.s32.f32 v58  }
0x94: {  	s16 =	simm.s32 $0x8C00;
	v2 =	vor.u32 v0, v2;
	[tilespmem:s15+$0x0] =	vst v1  }
0x95: {  	s17 =	simm.s32 $0x8810;
	v1 =	vor.u32 $0x1, v2;
	[tilespmem:s16+$0x0] =	vst v3  }
0x96: {  	v3 =	vld [tilespmem:s17+$0x0]  }
0x97: {  	v4 =	vor.u32 $0x2, v2;
	_ =	sdelay $0x1  }
0x98: {  	v5 =	vor.u32 $0x3, v2  }
0x99: {  	v1 =	vld.idx.msk [tilespmem:v1+s11+$0x0], $0xffff  }
0x9a: {  	v59 =	vld.idx.msk [tilespmem:v2+s11+$0x0], $0xffff;
	v60 =	vshrl.u32 v3, $0x3  }
0x9b: {  	v4 =	vld.idx.msk [tilespmem:v4+s11+$0x0], $0xffff;
	v7 =	vand.u32 $0x1, v60  }
0x9c: {  	v2 =	vor.u32 $0x4, v2;
	v61 =	vshrl.u32 v3, $0x2;
	v7 =	vcvt.s32.f32 v7  }
0x9d: {  	v5 =	vld.idx.msk [tilespmem:v5+s11+$0x0], $0xffff;
	v8 =	vand.u32 $0x1, v61  }
0x9e: {  	v62 =	vshrl.u32 v3, $0x1;
	v8 =	vcvt.s32.f32 v8;
	v1 =	vmul.f32 v7, v1  }
0x9f: {  	v63 =	vand.u32 $0x1, v62  }
0xa0: {  	v7 =	vcvt.s32.f32 v63;
	v4 =	vmul.f32 v8, v4;
	v1 =	vadd.f32 v1, v59  }
0xa1: {  	v2 =	vld.idx.msk [tilespmem:v2+s11+$0x0], $0xffff  }
0xa2: {  	v1 =	vadd.f32 v4, v1;
	v4 =	vmul.f32 v7, v5  }
0xa3: {  	s18 =	simm.s32 $0x8990;
	v3 =	vand.u32 $0x1, v3  }
0xa4: {  	v3 =	vcvt.s32.f32 v3;
	v4 =	vadd.f32 v4, v1;
	v1 =	vld [tilespmem:s18+$0x0];
	_ =	sdelay $0x1  }
0xa5: {  	s19 =	simm.s32 $0x20;
	v2 =	vmul.f32 v3, v2  }
0xa6: {  	v3 =	vmov s19  }
0xa7: {  	s19 =	simm.s32 $0x30;
	v3 =	vshll.u32 v3, $0x7;
	v2 =	vadd.f32 v2, v4  }
.LBB2_4:
0xa8: {  	p0 =	sne.s32 s19, $0xF0;
	v3 =	vor.u32 v0, v3;
	v1 =	vcvt.s32.f32 v1;
	s15 =	sadd.s32 $0x10, s15  }
0xa9: {  	s16 =	sadd.s32 $0x10, s16;
	v4 =	vor.u32 $0x1, v3;
	[tilespmem:s15+$0x0] =	vst v2  }
0xaa: {  	s17 =	sadd.s32 $0x10, s17;
	[tilespmem:s16+$0x0] =	vst v1  }
0xab: {  	v2 =	vor.u32 $0x2, v3;
	v1 =	vld [tilespmem:s17+$0x0];
	_ =	sdelay $0x1  }
0xac: {  	v5 =	vor.u32 $0x3, v3  }
0xad: {  	v4 =	vld.idx.msk [tilespmem:v4+s11+$0x0], $0xffff  }
0xae: {  	v6 =	vld.idx.msk [tilespmem:v3+s11+$0x0], $0xffff;
	v3 =	vor.u32 $0x4, v3  }
0xaf: {  	v7 =	vshrl.u32 v1, $0x3;
	v2 =	vld.idx.msk [tilespmem:v2+s11+$0x0], $0xffff  }
0xb0: {  	v7 =	vand.u32 $0x1, v7  }
0xb1: {  	v8 =	vshrl.u32 v1, $0x2;
	v7 =	vcvt.s32.f32 v7;
	v5 =	vld.idx.msk [tilespmem:v5+s11+$0x0], $0xffff  }
0xb2: {  	v8 =	vand.u32 $0x1, v8  }
0xb3: {  	v9 =	vshrl.u32 v1, $0x1;
	v8 =	vcvt.s32.f32 v8;
	v3 =	vld.idx.msk [tilespmem:v3+s11+$0x0], $0xffff;
	v4 =	vmul.f32 v7, v4  }
0xb4: {  	v7 =	vand.u32 $0x1, v9  }
0xb5: {  	v7 =	vcvt.s32.f32 v7;
	v2 =	vmul.f32 v8, v2;
	v4 =	vadd.f32 v4, v6  }
0xb6: {  	s18 =	sadd.s32 $0x10, s18;
	v6 =	vand.u32 $0x1, v1  }
.Ltmp1:
0xb7: {  	v6 =	vcvt.s32.f32 v6;
	v1 =	vld [tilespmem:s18+$0x0];
	v2 =	vadd.f32 v2, v4;
	v4 =	vmul.f32 v7, v5;
	(pc) =	sbr.rel @p0 .LBB2_4-.Ltmp1, $4  }
0xb8: {  	_ = 	snop  }
0xb9: {  	v2 =	vadd.f32 v4, v2;
	v4 =	vmul.f32 v6, v3  }
0xba: {  	v3 =	vmov s19  }
0xbb: {  	s19 =	sadd.s32 $0x10, s19;
	v3 =	vshll.u32 v3, $0x7;
	v2 =	vadd.f32 v4, v2  }
0xbc: {  	v1 =	vcvt.s32.f32 v1;
	s15 =	sadd.s32 $0x10, s15  }
0xbd: {  	v3 =	vor.u32 v0, v3;
	s16 =	sadd.s32 $0x10, s16;
	[tilespmem:s15+$0x0] =	vst v2  }
0xbe: {  	s17 =	sadd.s32 $0x10, s17;
	v2 =	vor.u32 $0x1, v3;
	[tilespmem:s16+$0x0] =	vst v1  }
0xbf: {  	v1 =	vld [tilespmem:s17+$0x0]  }
0xc0: {  	v4 =	vor.u32 $0x2, v3;
	_ =	sdelay $0x1  }
0xc1: {  	v5 =	vor.u32 $0x3, v3  }
0xc2: {  	v2 =	vld.idx.msk [tilespmem:v2+s11+$0x0], $0xffff  }
0xc3: {  	v6 =	vld.idx.msk [tilespmem:v3+s11+$0x0], $0xffff;
	v3 =	vor.u32 $0x4, v3;
	v7 =	vshrl.u32 v1, $0x3  }
0xc4: {  	v4 =	vld.idx.msk [tilespmem:v4+s11+$0x0], $0xffff;
	v7 =	vand.u32 $0x1, v7  }
0xc5: {  	v8 =	vshrl.u32 v1, $0x2;
	v7 =	vcvt.s32.f32 v7  }
0xc6: {  	v5 =	vld.idx.msk [tilespmem:v5+s11+$0x0], $0xffff;
	v8 =	vand.u32 $0x1, v8  }
0xc7: {  	v9 =	vshrl.u32 v1, $0x1;
	v8 =	vcvt.s32.f32 v8;
	v2 =	vmul.f32 v7, v2  }
0xc8: {  	v61 =	vand.u32 $0x1, v9;
	v3 =	vld.idx.msk [tilespmem:v3+s11+$0x0], $0xffff  }
0xc9: {  	v7 =	vcvt.s32.f32 v61;
	v4 =	vmul.f32 v8, v4;
	v2 =	vadd.f32 v2, v6  }
0xca: {  	s30 =	sadd.s32 $0x10, s18;
	v1 =	vand.u32 $0x1, v1  }
0xcb: {  	v62 =	vld [tilespmem:s30+$0x0];
	v1 =	vcvt.s32.f32 v1;
	v63 =	vmul.f32 v7, v5;
	v2 =	vadd.f32 v4, v2;
	_ =	sdelay $0x1  }
0xcc: {  	v1 =	vmul.f32 v1, v3;
	v2 =	vadd.f32 v63, v2;
	_ =	sdelay $0x1  }
0xcd: {  	v1 =	vadd.f32 v1, v2  }
0xce: {  	s15 =	sadd.s32 $0x10, s15;
	v2 =	vcvt.s32.f32 v62  }
0xcf: {  	s31 =	sadd.s32 $0x10, s16;
	[tilespmem:s15+$0x0] =	vst v1  }
0xd0: {  	[tilespmem:s31+$0x0] =	vst v2  }
0xd1: {  	[hbm4b:s6+s3] =	stream.linear.scatter [tilespmem:s12], [sflag:$0x1], $0x100, $0x38;
	[tilespmem:$0x8D00] =	vst v63  }
0xd2: {  	s14 =	sadd.s32 $0x1, s14;
	_ =	swait.ge [sflag:s10], $0x100  }
0xd3: {  	p0 =	sne.s32 s14, s8;
	[sflag:s10] =	ssyncset.done $0x0  }
.Ltmp2:
0xd4: {  	[sflag:s10] =	ssyncadd.s32 $0xFFFFFF00;
	(pc) =	sbr.rel @p0 .LBB2_1-.Ltmp2, $4  }
0xd5: {  	[hbm4b:s7+s3] =	stream.linear.scatter [tilespmem:s13], [sflag:$0x1], $0x100, $0x38;
	[tilespmem:$0x8D00] =	vst v63  }
0xd6: {  	_ =	swait.ge [sflag:s10], $0x100  }
0xd7: {  	[sflag:s10] =	ssyncset.done $0x0  }
0xd8: {  	[sflag:s10] =	ssyncadd.s32 $0xFFFFFF00  }
0xd9: {  	_ =	sfence.sel $0x180000  }
0xda: {  	[bflag:$0x0] =	sbarrier.arrive $0xFFFF  }
0xdb: {  	p0 =	sne.s32 s1, $0x0;
	_ =	strace $0x90000047  }
0xdc: {  	s0 =	sadd.s32 @!p0 $0x100000, s0;
	[bflag:$0x2] =	sbarrier.arrive $0xFFFF  }
0xdd: {  	[sflag:s0] =	ssyncadd.tile.s32 @!p0 $0x1;
	_ =	shalt  }
.Lfunc_end2:
_tile_overlayer_lowered:
.L_overlay_start_2:
0xde: {  	(tag) =	ssettag $0x2  }
0xdf: {  	s0 =	rddreg [dreg:$0x0];
	s2 =	stileid.u32  }
0xe0: {  	s1 =	rddreg [dreg:$0x1];
	p0 =	sne.s32 s2, $0x0  }
0xe1: {  	s3 =	rddreg [dreg:$0x2];
	[bflag:$0x3] =	sbarrier.arrive $0xFFFF;
	s2 =	simm.s32 @!p0 $0x1C01  }
0xe2: {  	[timem:s3], [sflag:s2] =	dma.local @!p0 [hbm:s0], s1  }
0xe3: {  	s0 =	simm.s32 @!p0 $0x1  }
0xe4: {  	_ =	swait.ge @!p0 [sflag:s0], s1  }
0xe5: {  	s1 =	ssub.s32 @!p0 $0x0, s1;
	[sflag:s0] =	ssyncset.done @!p0 $0x0  }
0xe6: {  	[sflag:s0] =	ssyncadd.s32 @!p0 s1  }
0xe7: {  	[bflag:$0x3] =	sbarrier.arrive $0xFFFF  }
0xe8: {  	_ =	shalt  }

</sc_bundles>
